<compile_context>
chip_gen: v7x
topology: tpu7x:2x2x1
jax: 0.10.2.dev20260603
libtpu: 0.0.44.dev20260713+nightly
codegen_flags: <defaults>
</compile_context>

<pallas_src>
import functools

import jax
import jax.numpy as jnp
from jax import lax
from jax.experimental import pallas as pl
from jax.experimental.pallas import tpu as pltpu, tpu_sc as plsc

B, N, D, K = 4, 4096, 64, 1024
DP = 128
TILE_N = 4096
NT = N // TILE_N

NC, NS = 2, 16
NW = NC * NS
TOK = B * N
CHUNK = TOK // NW


def _tc1_kernel(enc_ref, dec_ref, cbt_ref, wpre_ref, bpre_ref, wpost_ref,
                cb_ref, idx_ref, loss_ref, cbw_ref):
    b = pl.program_id(0)

    enc = enc_ref[0]
    dec = dec_ref[0]
    cbt = cbt_ref[...]

    res = jnp.dot(enc - dec, wpre_ref[...],
                  preferred_element_type=jnp.float32) + bpre_ref[...]

    cb_norm = jnp.sum(cbt * cbt, axis=0).reshape(1, K)
    scores = jnp.dot(res, cbt, preferred_element_type=jnp.float32)
    d2 = cb_norm - 2.0 * scores

    md = jnp.min(d2, axis=1).reshape(TILE_N, 1)
    iota = jax.lax.broadcasted_iota(jnp.int32, (TILE_N, K), 1)
    masked = jnp.where(d2 <= md, iota, K)
    idx_ref[0] = jnp.min(masked, axis=1).reshape(TILE_N, 1)

    part = jnp.sum(md) + jnp.sum(res * res)
    loss_ref[...] = (part * (1.0 / (N * D))).reshape(1, 1, 1)

    @pl.when(b == 0)
    def _cbw():
        cbw = jnp.dot(cb_ref[...], wpost_ref[...],
                      preferred_element_type=jnp.float32)
        cbw_ref[...] = jnp.pad(cbw, ((0, 0), (0, DP - D)))


def _sc_kernel(cbw_hbm, idx_hbm, quant_hbm, counts_hbm,
               idx_v, rows_v, hist_v, sem):
    wid = lax.axis_index("s") * NC + lax.axis_index("c")
    base = wid * CHUNK

    pltpu.sync_copy(idx_hbm.at[pl.ds(base, CHUNK)], idx_v)
    pltpu.async_copy(cbw_hbm.at[idx_v], rows_v, sem).wait()
    pltpu.sync_copy(rows_v, quant_hbm.at[pl.ds(base, CHUNK)])

    zeros = jnp.zeros((16,), jnp.float32)
    for i in range(K // 16):
        hist_v[pl.ds(i * 16, 16)] = zeros
    ones = jnp.ones((16,), jnp.float32)
    for i in range(CHUNK // 16):
        plsc.addupdate_scatter(hist_v, [idx_v[pl.ds(i * 16, 16)]], ones)
    pltpu.sync_copy(hist_v, counts_hbm.at[wid])


def _tc2_kernel(quant_ref, dec_ref, wpost_ref, bpost_ref, counts_ref,
                out_ref, kl_ref):
    out_ref[0] = (quant_ref[0, :, :D]
                  + jnp.dot(dec_ref[0], wpost_ref[...],
                            preferred_element_type=jnp.float32)
                  + bpost_ref[...])

    counts = jnp.sum(counts_ref[...], axis=0)
    probs = counts.reshape(1, K) * (1.0 / N)
    kl = jnp.sum(probs * jnp.log(probs * K + 1e-10))
    kl_ref[...] = kl.reshape(1, 1, 1)


@jax.jit
def kernel(enc, dec, codebook, W_pre, b_pre, W_post, b_post):
    idx, loss, cbw = pl.pallas_call(
        _tc1_kernel,
        grid=(B,),
        in_specs=[
            pl.BlockSpec((1, TILE_N, D), lambda b: (b, 0, 0)),
            pl.BlockSpec((1, TILE_N, D), lambda b: (b, 0, 0)),
            pl.BlockSpec((D, K), lambda b: (0, 0)),
            pl.BlockSpec((D, D), lambda b: (0, 0)),
            pl.BlockSpec((1, D), lambda b: (0, 0)),
            pl.BlockSpec((D, D), lambda b: (0, 0)),
            pl.BlockSpec((K, D), lambda b: (0, 0)),
        ],
        out_specs=[
            pl.BlockSpec((1, TILE_N, 1), lambda b: (b, 0, 0)),
            pl.BlockSpec((1, 1, 1), lambda b: (b, 0, 0)),
            pl.BlockSpec((K, DP), lambda b: (0, 0)),
        ],
        out_shape=[
            jax.ShapeDtypeStruct((B, N, 1), jnp.int32),
            jax.ShapeDtypeStruct((B, 1, 1), jnp.float32),
            jax.ShapeDtypeStruct((K, DP), jnp.float32),
        ],
    )(enc, dec, codebook.T, W_pre, b_pre.reshape(1, D), W_post, codebook)

    mesh = plsc.VectorSubcoreMesh(core_axis_name="c", subcore_axis_name="s")
    quant_flat, counts32 = pl.kernel(
        _sc_kernel,
        mesh=mesh,
        out_type=[
            jax.ShapeDtypeStruct((TOK, DP), jnp.float32),
            jax.ShapeDtypeStruct((NW, K), jnp.float32),
        ],
        scratch_types=[
            pltpu.VMEM((CHUNK,), jnp.int32),
            pltpu.VMEM((CHUNK, DP), jnp.float32),
            pltpu.VMEM((K,), jnp.float32),
            pltpu.SemaphoreType.DMA,
        ],
        compiler_params=pltpu.CompilerParams(needs_layout_passes=False),
    )(cbw, idx.reshape(TOK))

    quantw = quant_flat.reshape(B, N, DP)
    out, kl = pl.pallas_call(
        _tc2_kernel,
        grid=(B,),
        in_specs=[
            pl.BlockSpec((1, TILE_N, DP), lambda b: (b, 0, 0)),
            pl.BlockSpec((1, TILE_N, D), lambda b: (b, 0, 0)),
            pl.BlockSpec((D, D), lambda b: (0, 0)),
            pl.BlockSpec((1, D), lambda b: (0, 0)),
            pl.BlockSpec((8, K), lambda b: (b, 0)),
        ],
        out_specs=[
            pl.BlockSpec((1, TILE_N, D), lambda b: (b, 0, 0)),
            pl.BlockSpec((1, 1, 1), lambda b: (b, 0, 0)),
        ],
        out_shape=[
            jax.ShapeDtypeStruct((B, N, D), jnp.float32),
            jax.ShapeDtypeStruct((B, 1, 1), jnp.float32),
        ],
    )(quantw, dec, W_post, b_post.reshape(1, D), counts32)

    loss = loss.reshape(B)
    kl = kl.reshape(B)
    return out, loss, loss, kl

# --- scband reference (transcript-rebuilt; emitter-appended) ---
"""Pipeline reference for scband-base-cross-scale-decoder-18468359373136 (READ-ONLY COPY).

The authoritative reference and input builder live on the scoring server;
editing this copy changes nothing except your own understanding.
"""

import jax, jax.numpy as jnp
import numpy as np

B, N, D, K = 4, 4096, 64, 1024

def setup_inputs(seed: int = 0):
    key = jax.random.key(seed)
    k1, k2, k3, k4, k5 = jax.random.split(key, 5)
    enc = jax.random.normal(k1, (B, N, D), dtype=jnp.float32)
    dec = jax.random.normal(k2, (B, N, D), dtype=jnp.float32)
    codebook = jax.random.normal(k3, (K, D), dtype=jnp.float32)
    W_pre = jax.random.normal(k4, (D, D), dtype=jnp.float32) / np.sqrt(D)
    b_pre = jnp.zeros((D,), dtype=jnp.float32)
    W_post = jax.random.normal(k5, (D, D), dtype=jnp.float32) / np.sqrt(D)
    b_post = jnp.zeros((D,), dtype=jnp.float32)
    return {"enc": enc, "dec": dec, "codebook": codebook,
            "W_pre": W_pre, "b_pre": b_pre, "W_post": W_post, "b_post": b_post}

def _vq(residual, codebook):
    Bn, Nn, Dn = residual.shape
    Kn = codebook.shape[0]
    flat = residual.reshape(-1, Dn)
    d2 = (jnp.sum(flat * flat, axis=1, keepdims=True)
          - 2.0 * flat @ codebook.T
          + jnp.sum(codebook * codebook, axis=1)[None, :])
    idx = jnp.argmin(d2, axis=1)
    quant = jnp.take(codebook, idx, axis=0).reshape(Bn, Nn, Dn)
    cm_loss = jnp.mean((jax.lax.stop_gradient(quant) - residual) ** 2, axis=(1, 2))
    cb_loss = jnp.mean((quant - jax.lax.stop_gradient(residual)) ** 2, axis=(1, 2))
    onehot = jax.nn.one_hot(idx.reshape(Bn, Nn), Kn, dtype=jnp.float32)
    probs = jnp.mean(onehot, axis=1)
    kl_loss = jnp.sum(probs * jnp.log(probs * Kn + 1e-10), axis=-1)
    residual_q = residual + jax.lax.stop_gradient(quant - residual)
    return residual_q, cm_loss, cb_loss, kl_loss

def reference(enc, dec, codebook, W_pre, b_pre, W_post, b_post):
    # csvq_layer with fuse_net='None': res_pre_fuse -> vq -> res_post_fuse
    residual = (enc - dec) @ W_pre + b_pre          # pre_fuse_net[idx](enc - dec)
    residual_q, cm_loss, cb_loss, kl_loss = _vq(residual, codebook)
    dec_refine = (residual_q + dec) @ W_post + b_post  # post_fuse_net[idx](residual_q + dec)
    return dec_refine, cm_loss, cb_loss, kl_loss

if __name__ == "__main__":
    import jax
    _d = setup_inputs()
    print(jax.jit(kernel)(*tuple(_d.values())))

</pallas_src>

<mosaic_0001>
#map = affine_map<(d0, d1) -> (0, 0)>
#map1 = affine_map<(d0, d1) -> (0)>
module attributes {stable_mosaic.version = 14 : i64} {
  func.func @_sc_kernel(%arg0: i32, %arg1: i32, %arg2: memref<1024x128xf32, #tpu.memory_space<hbm>>, %arg3: memref<16384xi32, #tpu.memory_space<hbm>>, %arg4: memref<16384x128xf32, #tpu.memory_space<hbm>>, %arg5: memref<32x1024xf32, #tpu.memory_space<hbm>>, %arg6: memref<512xi32, #tpu.memory_space<vmem>>, %arg7: memref<512x128xf32, #tpu.memory_space<vmem>>, %arg8: memref<1024xf32, #tpu.memory_space<vmem>>, %arg9: memref<!tpu.dma_semaphore, #tpu.memory_space<semaphore_mem>>) attributes {dimension_semantics = [#tpu.dimension_semantics<core_parallel>, #tpu.dimension_semantics<subcore_parallel>], iteration_bounds = array<i64: 2, 16>, scalar_prefetch = 0 : i64, scratch_operands = 4 : i64, tpu.core_type = #tpu.core_type<sc_vector_subcore>, window_params = [{transform_indices = #map}, {transform_indices = #map1}, {transform_indices = #map}, {transform_indices = #map}]} {
    %mul3A = arith.constant 2 : i32
    %mul3A_0 = arith.muli %arg1, %mul3A : i32
    %add3A = arith.addi %mul3A_0, %arg0 : i32
    %mul3A_1 = arith.constant 512 : i32
    %mul3A_2 = arith.muli %add3A, %mul3A_1 : i32
    "tpu.region"() ({
      %run_scoped3A = tpu.sem_alloc : memref<!tpu.dma_semaphore, #tpu.memory_space<semaphore_mem>>
      %dma_start3A_200 = tpu.memref_slice %arg3[%mul3A_2] : memref<16384xi32, #tpu.memory_space<hbm>> -> memref<512xi32, #tpu.memory_space<hbm>>
      %dma_start3A_201 = tpu.memref_slice %arg3[%mul3A_2] : memref<16384xi32, #tpu.memory_space<hbm>> -> memref<512xi32, #tpu.memory_space<hbm>>
      tpu.enqueue_dma source(%dma_start3A_201 : memref<512xi32, #tpu.memory_space<hbm>>) target(%arg6 : memref<512xi32, #tpu.memory_space<vmem>>) target_semaphore(%run_scoped3A : memref<!tpu.dma_semaphore, #tpu.memory_space<semaphore_mem>>)
      %dma_wait3A_202 = tpu.memref_slice %arg3[%mul3A_2] : memref<16384xi32, #tpu.memory_space<hbm>> -> memref<512xi32, #tpu.memory_space<hbm>>
      %dma_wait3A_203 = tpu.memref_slice %arg3[%mul3A_2] : memref<16384xi32, #tpu.memory_space<hbm>> -> memref<512xi32, #tpu.memory_space<hbm>>
      tpu.wait_dma2 semaphore(%run_scoped3A : memref<!tpu.dma_semaphore, #tpu.memory_space<semaphore_mem>>) src(%dma_wait3A_203 : memref<512xi32, #tpu.memory_space<hbm>>) dst(%arg6 : memref<512xi32, #tpu.memory_space<vmem>>)
      tpu.yield
    }) : () -> ()
    %dma_start3A = arith.constant 0 : i32
    %dma_start3A_3 = arith.constant 0 : i32
    %dma_start3A_4 = tpu.memref_slice %arg2[%dma_start3A, %dma_start3A_3] : memref<1024x128xf32, #tpu.memory_space<hbm>> -> memref<1024x128xf32, #tpu.memory_space<hbm>>
    tpu.enqueue_indirect_dma source(%dma_start3A_4 : memref<1024x128xf32, #tpu.memory_space<hbm>>) target(%arg7 : memref<512x128xf32, #tpu.memory_space<vmem>>) offsets(%arg6 : memref<512xi32, #tpu.memory_space<vmem>>) semaphore(%arg9 : memref<!tpu.dma_semaphore, #tpu.memory_space<semaphore_mem>>)
    %dma_wait3A = arith.constant 0 : i32
    %dma_wait3A_5 = arith.constant 0 : i32
    %dma_wait3A_6 = tpu.memref_slice %arg2[%dma_wait3A, %dma_wait3A_5] : memref<1024x128xf32, #tpu.memory_space<hbm>> -> memref<1024x128xf32, #tpu.memory_space<hbm>>
    tpu.wait_indirect_dma semaphore(%arg9 : memref<!tpu.dma_semaphore, #tpu.memory_space<semaphore_mem>>) src(%dma_wait3A_6 : memref<1024x128xf32, #tpu.memory_space<hbm>>) dst(%arg7 : memref<512x128xf32, #tpu.memory_space<vmem>>)
    "tpu.region"() ({
      %run_scoped3A = tpu.sem_alloc : memref<!tpu.dma_semaphore, #tpu.memory_space<semaphore_mem>>
      %dma_start3A_200 = arith.constant 0 : i32
      %dma_start3A_201 = tpu.memref_slice %arg4[%mul3A_2, %dma_start3A_200] : memref<16384x128xf32, #tpu.memory_space<hbm>> -> memref<512x128xf32, #tpu.memory_space<hbm>>
      %dma_start3A_202 = arith.constant 0 : i32
      %dma_start3A_203 = tpu.memref_slice %arg4[%mul3A_2, %dma_start3A_202] : memref<16384x128xf32, #tpu.memory_space<hbm>> -> memref<512x128xf32, #tpu.memory_space<hbm>>
      tpu.enqueue_dma source(%arg7 : memref<512x128xf32, #tpu.memory_space<vmem>>) target(%dma_start3A_203 : memref<512x128xf32, #tpu.memory_space<hbm>>) target_semaphore(%run_scoped3A : memref<!tpu.dma_semaphore, #tpu.memory_space<semaphore_mem>>)
      %dma_wait3A_204 = arith.constant 0 : i32
      %dma_wait3A_205 = tpu.memref_slice %arg4[%mul3A_2, %dma_wait3A_204] : memref<16384x128xf32, #tpu.memory_space<hbm>> -> memref<512x128xf32, #tpu.memory_space<hbm>>
      %dma_wait3A_206 = arith.constant 0 : i32
      %dma_wait3A_207 = tpu.memref_slice %arg4[%mul3A_2, %dma_wait3A_206] : memref<16384x128xf32, #tpu.memory_space<hbm>> -> memref<512x128xf32, #tpu.memory_space<hbm>>
      tpu.wait_dma2 semaphore(%run_scoped3A : memref<!tpu.dma_semaphore, #tpu.memory_space<semaphore_mem>>) src(%arg7 : memref<512x128xf32, #tpu.memory_space<vmem>>) dst(%dma_wait3A_207 : memref<512x128xf32, #tpu.memory_space<hbm>>)
      tpu.yield
    }) : () -> ()
    %broadcast_in_dim3A = arith.constant 0.000000e+00 : f32
    %broadcast_in_dim3A_7 = vector.broadcast %broadcast_in_dim3A : f32 to vector<16xf32>
    %swap3A = arith.constant 0 : index
    %swap3A_8 = tpu.vector_load %arg8[%swap3A] {strides = array<i32>} : memref<1024xf32, #tpu.memory_space<vmem>>, vector<16xf32>,
    tpu.vector_store %arg8[%swap3A], %broadcast_in_dim3A_7 {strides = array<i32>} : memref<1024xf32, #tpu.memory_space<vmem>>, vector<16xf32>,
    %swap3A_9 = arith.constant 16 : index
    %swap3A_10 = tpu.vector_load %arg8[%swap3A_9] {strides = array<i32>} : memref<1024xf32, #tpu.memory_space<vmem>>, vector<16xf32>,
    tpu.vector_store %arg8[%swap3A_9], %broadcast_in_dim3A_7 {strides = array<i32>} : memref<1024xf32, #tpu.memory_space<vmem>>, vector<16xf32>,
    %swap3A_11 = arith.constant 32 : index
    %swap3A_12 = tpu.vector_load %arg8[%swap3A_11] {strides = array<i32>} : memref<1024xf32, #tpu.memory_space<vmem>>, vector<16xf32>,
    tpu.vector_store %arg8[%swap3A_11], %broadcast_in_dim3A_7 {strides = array<i32>} : memref<1024xf32, #tpu.memory_space<vmem>>, vector<16xf32>,
    %swap3A_13 = arith.constant 48 : index
    %swap3A_14 = tpu.vector_load %arg8[%swap3A_13] {strides = array<i32>} : memref<1024xf32, #tpu.memory_space<vmem>>, vector<16xf32>,
    tpu.vector_store %arg8[%swap3A_13], %broadcast_in_dim3A_7 {strides = array<i32>} : memref<1024xf32, #tpu.memory_space<vmem>>, vector<16xf32>,
    %swap3A_15 = arith.constant 64 : index
    %swap3A_16 = tpu.vector_load %arg8[%swap3A_15] {strides = array<i32>} : memref<1024xf32, #tpu.memory_space<vmem>>, vector<16xf32>,
    tpu.vector_store %arg8[%swap3A_15], %broadcast_in_dim3A_7 {strides = array<i32>} : memref<1024xf32, #tpu.memory_space<vmem>>, vector<16xf32>,
    %swap3A_17 = arith.constant 80 : index
    %swap3A_18 = tpu.vector_load %arg8[%swap3A_17] {strides = array<i32>} : memref<1024xf32, #tpu.memory_space<vmem>>, vector<16xf32>,
    tpu.vector_store %arg8[%swap3A_17], %broadcast_in_dim3A_7 {strides = array<i32>} : memref<1024xf32, #tpu.memory_space<vmem>>, vector<16xf32>,
    %swap3A_19 = arith.constant 96 : index
    %swap3A_20 = tpu.vector_load %arg8[%swap3A_19] {strides = array<i32>} : memref<1024xf32, #tpu.memory_space<vmem>>, vector<16xf32>,
    tpu.vector_store %arg8[%swap3A_19], %broadcast_in_dim3A_7 {strides = array<i32>} : memref<1024xf32, #tpu.memory_space<vmem>>, vector<16xf32>,
    %swap3A_21 = arith.constant 112 : index
    %swap3A_22 = tpu.vector_load %arg8[%swap3A_21] {strides = array<i32>} : memref<1024xf32, #tpu.memory_space<vmem>>, vector<16xf32>,
    tpu.vector_store %arg8[%swap3A_21], %broadcast_in_dim3A_7 {strides = array<i32>} : memref<1024xf32, #tpu.memory_space<vmem>>, vector<16xf32>,
    %swap3A_23 = arith.constant 128 : index
    %swap3A_24 = tpu.vector_load %arg8[%swap3A_23] {strides = array<i32>} : memref<1024xf32, #tpu.memory_space<vmem>>, vector<16xf32>,
    tpu.vector_store %arg8[%swap3A_23], %broadcast_in_dim3A_7 {strides = array<i32>} : memref<1024xf32, #tpu.memory_space<vmem>>, vector<16xf32>,
    %swap3A_25 = arith.constant 144 : index
    %swap3A_26 = tpu.vector_load %arg8[%swap3A_25] {strides = array<i32>} : memref<1024xf32, #tpu.memory_space<vmem>>, vector<16xf32>,
    tpu.vector_store %arg8[%swap3A_25], %broadcast_in_dim3A_7 {strides = array<i32>} : memref<1024xf32, #tpu.memory_space<vmem>>, vector<16xf32>,
    %swap3A_27 = arith.constant 160 : index
    %swap3A_28 = tpu.vector_load %arg8[%swap3A_27] {strides = array<i32>} : memref<1024xf32, #tpu.memory_space<vmem>>, vector<16xf32>,
    tpu.vector_store %arg8[%swap3A_27], %broadcast_in_dim3A_7 {strides = array<i32>} : memref<1024xf32, #tpu.memory_space<vmem>>, vector<16xf32>,
    %swap3A_29 = arith.constant 176 : index
    %swap3A_30 = tpu.vector_load %arg8[%swap3A_29] {strides = array<i32>} : memref<1024xf32, #tpu.memory_space<vmem>>, vector<16xf32>,
    tpu.vector_store %arg8[%swap3A_29], %broadcast_in_dim3A_7 {strides = array<i32>} : memref<1024xf32, #tpu.memory_space<vmem>>, vector<16xf32>,
    %swap3A_31 = arith.constant 192 : index
    %swap3A_32 = tpu.vector_load %arg8[%swap3A_31] {strides = array<i32>} : memref<1024xf32, #tpu.memory_space<vmem>>, vector<16xf32>,
    tpu.vector_store %arg8[%swap3A_31], %broadcast_in_dim3A_7 {strides = array<i32>} : memref<1024xf32, #tpu.memory_space<vmem>>, vector<16xf32>,
    %swap3A_33 = arith.constant 208 : index
    %swap3A_34 = tpu.vector_load %arg8[%swap3A_33] {strides = array<i32>} : memref<1024xf32, #tpu.memory_space<vmem>>, vector<16xf32>,
    tpu.vector_store %arg8[%swap3A_33], %broadcast_in_dim3A_7 {strides = array<i32>} : memref<1024xf32, #tpu.memory_space<vmem>>, vector<16xf32>,
    %swap3A_35 = arith.constant 224 : index
    %swap3A_36 = tpu.vector_load %arg8[%swap3A_35] {strides = array<i32>} : memref<1024xf32, #tpu.memory_space<vmem>>, vector<16xf32>,
    tpu.vector_store %arg8[%swap3A_35], %broadcast_in_dim3A_7 {strides = array<i32>} : memref<1024xf32, #tpu.memory_space<vmem>>, vector<16xf32>,
    %swap3A_37 = arith.constant 240 : index
    %swap3A_38 = tpu.vector_load %arg8[%swap3A_37] {strides = array<i32>} : memref<1024xf32, #tpu.memory_space<vmem>>, vector<16xf32>,
    tpu.vector_store %arg8[%swap3A_37], %broadcast_in_dim3A_7 {strides = array<i32>} : memref<1024xf32, #tpu.memory_space<vmem>>, vector<16xf32>,
    %swap3A_39 = arith.constant 256 : index
    %swap3A_40 = tpu.vector_load %arg8[%swap3A_39] {strides = array<i32>} : memref<1024xf32, #tpu.memory_space<vmem>>, vector<16xf32>,
    tpu.vector_store %arg8[%swap3A_39], %broadcast_in_dim3A_7 {strides = array<i32>} : memref<1024xf32, #tpu.memory_space<vmem>>, vector<16xf32>,
    %swap3A_41 = arith.constant 272 : index
    %swap3A_42 = tpu.vector_load %arg8[%swap3A_41] {strides = array<i32>} : memref<1024xf32, #tpu.memory_space<vmem>>, vector<16xf32>,
    tpu.vector_store %arg8[%swap3A_41], %broadcast_in_dim3A_7 {strides = array<i32>} : memref<1024xf32, #tpu.memory_space<vmem>>, vector<16xf32>,
    %swap3A_43 = arith.constant 288 : index
    %swap3A_44 = tpu.vector_load %arg8[%swap3A_43] {strides = array<i32>} : memref<1024xf32, #tpu.memory_space<vmem>>, vector<16xf32>,
    tpu.vector_store %arg8[%swap3A_43], %broadcast_in_dim3A_7 {strides = array<i32>} : memref<1024xf32, #tpu.memory_space<vmem>>, vector<16xf32>,
    %swap3A_45 = arith.constant 304 : index
    %swap3A_46 = tpu.vector_load %arg8[%swap3A_45] {strides = array<i32>} : memref<1024xf32, #tpu.memory_space<vmem>>, vector<16xf32>,
    tpu.vector_store %arg8[%swap3A_45], %broadcast_in_dim3A_7 {strides = array<i32>} : memref<1024xf32, #tpu.memory_space<vmem>>, vector<16xf32>,
    %swap3A_47 = arith.constant 320 : index
    %swap3A_48 = tpu.vector_load %arg8[%swap3A_47] {strides = array<i32>} : memref<1024xf32, #tpu.memory_space<vmem>>, vector<16xf32>,
    tpu.vector_store %arg8[%swap3A_47], %broadcast_in_dim3A_7 {strides = array<i32>} : memref<1024xf32, #tpu.memory_space<vmem>>, vector<16xf32>,
    %swap3A_49 = arith.constant 336 : index
    %swap3A_50 = tpu.vector_load %arg8[%swap3A_49] {strides = array<i32>} : memref<1024xf32, #tpu.memory_space<vmem>>, vector<16xf32>,
    tpu.vector_store %arg8[%swap3A_49], %broadcast_in_dim3A_7 {strides = array<i32>} : memref<1024xf32, #tpu.memory_space<vmem>>, vector<16xf32>,
    %swap3A_51 = arith.constant 352 : index
    %swap3A_52 = tpu.vector_load %arg8[%swap3A_51] {strides = array<i32>} : memref<1024xf32, #tpu.memory_space<vmem>>, vector<16xf32>,
    tpu.vector_store %arg8[%swap3A_51], %broadcast_in_dim3A_7 {strides = array<i32>} : memref<1024xf32, #tpu.memory_space<vmem>>, vector<16xf32>,
    %swap3A_53 = arith.constant 368 : index
    %swap3A_54 = tpu.vector_load %arg8[%swap3A_53] {strides = array<i32>} : memref<1024xf32, #tpu.memory_space<vmem>>, vector<16xf32>,
    tpu.vector_store %arg8[%swap3A_53], %broadcast_in_dim3A_7 {strides = array<i32>} : memref<1024xf32, #tpu.memory_space<vmem>>, vector<16xf32>,
    %swap3A_55 = arith.constant 384 : index
    %swap3A_56 = tpu.vector_load %arg8[%swap3A_55] {strides = array<i32>} : memref<1024xf32, #tpu.memory_space<vmem>>, vector<16xf32>,
    tpu.vector_store %arg8[%swap3A_55], %broadcast_in_dim3A_7 {strides = array<i32>} : memref<1024xf32, #tpu.memory_space<vmem>>, vector<16xf32>,
    %swap3A_57 = arith.constant 400 : index
    %swap3A_58 = tpu.vector_load %arg8[%swap3A_57] {strides = array<i32>} : memref<1024xf32, #tpu.memory_space<vmem>>, vector<16xf32>,
    tpu.vector_store %arg8[%swap3A_57], %broadcast_in_dim3A_7 {strides = array<i32>} : memref<1024xf32, #tpu.memory_space<vmem>>, vector<16xf32>,
    %swap3A_59 = arith.constant 416 : index
    %swap3A_60 = tpu.vector_load %arg8[%swap3A_59] {strides = array<i32>} : memref<1024xf32, #tpu.memory_space<vmem>>, vector<16xf32>,
    tpu.vector_store %arg8[%swap3A_59], %broadcast_in_dim3A_7 {strides = array<i32>} : memref<1024xf32, #tpu.memory_space<vmem>>, vector<16xf32>,
    %swap3A_61 = arith.constant 432 : index
    %swap3A_62 = tpu.vector_load %arg8[%swap3A_61] {strides = array<i32>} : memref<1024xf32, #tpu.memory_space<vmem>>, vector<16xf32>,
    tpu.vector_store %arg8[%swap3A_61], %broadcast_in_dim3A_7 {strides = array<i32>} : memref<1024xf32, #tpu.memory_space<vmem>>, vector<16xf32>,
    %swap3A_63 = arith.constant 448 : index
    %swap3A_64 = tpu.vector_load %arg8[%swap3A_63] {strides = array<i32>} : memref<1024xf32, #tpu.memory_space<vmem>>, vector<16xf32>,
    tpu.vector_store %arg8[%swap3A_63], %broadcast_in_dim3A_7 {strides = array<i32>} : memref<1024xf32, #tpu.memory_space<vmem>>, vector<16xf32>,
    %swap3A_65 = arith.constant 464 : index
    %swap3A_66 = tpu.vector_load %arg8[%swap3A_65] {strides = array<i32>} : memref<1024xf32, #tpu.memory_space<vmem>>, vector<16xf32>,
    tpu.vector_store %arg8[%swap3A_65], %broadcast_in_dim3A_7 {strides = array<i32>} : memref<1024xf32, #tpu.memory_space<vmem>>, vector<16xf32>,
    %swap3A_67 = arith.constant 480 : index
    %swap3A_68 = tpu.vector_load %arg8[%swap3A_67] {strides = array<i32>} : memref<1024xf32, #tpu.memory_space<vmem>>, vector<16xf32>,
    tpu.vector_store %arg8[%swap3A_67], %broadcast_in_dim3A_7 {strides = array<i32>} : memref<1024xf32, #tpu.memory_space<vmem>>, vector<16xf32>,
    %swap3A_69 = arith.constant 496 : index
    %swap3A_70 = tpu.vector_load %arg8[%swap3A_69] {strides = array<i32>} : memref<1024xf32, #tpu.memory_space<vmem>>, vector<16xf32>,
    tpu.vector_store %arg8[%swap3A_69], %broadcast_in_dim3A_7 {strides = array<i32>} : memref<1024xf32, #tpu.memory_space<vmem>>, vector<16xf32>,
    %swap3A_71 = arith.constant 512 : index
    %swap3A_72 = tpu.vector_load %arg8[%swap3A_71] {strides = array<i32>} : memref<1024xf32, #tpu.memory_space<vmem>>, vector<16xf32>,
    tpu.vector_store %arg8[%swap3A_71], %broadcast_in_dim3A_7 {strides = array<i32>} : memref<1024xf32, #tpu.memory_space<vmem>>, vector<16xf32>,
    %swap3A_73 = arith.constant 528 : index
    %swap3A_74 = tpu.vector_load %arg8[%swap3A_73] {strides = array<i32>} : memref<1024xf32, #tpu.memory_space<vmem>>, vector<16xf32>,
    tpu.vector_store %arg8[%swap3A_73], %broadcast_in_dim3A_7 {strides = array<i32>} : memref<1024xf32, #tpu.memory_space<vmem>>, vector<16xf32>,
    %swap3A_75 = arith.constant 544 : index
    %swap3A_76 = tpu.vector_load %arg8[%swap3A_75] {strides = array<i32>} : memref<1024xf32, #tpu.memory_space<vmem>>, vector<16xf32>,
    tpu.vector_store %arg8[%swap3A_75], %broadcast_in_dim3A_7 {strides = array<i32>} : memref<1024xf32, #tpu.memory_space<vmem>>, vector<16xf32>,
    %swap3A_77 = arith.constant 560 : index
    %swap3A_78 = tpu.vector_load %arg8[%swap3A_77] {strides = array<i32>} : memref<1024xf32, #tpu.memory_space<vmem>>, vector<16xf32>,
    tpu.vector_store %arg8[%swap3A_77], %broadcast_in_dim3A_7 {strides = array<i32>} : memref<1024xf32, #tpu.memory_space<vmem>>, vector<16xf32>,
    %swap3A_79 = arith.constant 576 : index
    %swap3A_80 = tpu.vector_load %arg8[%swap3A_79] {strides = array<i32>} : memref<1024xf32, #tpu.memory_space<vmem>>, vector<16xf32>,
    tpu.vector_store %arg8[%swap3A_79], %broadcast_in_dim3A_7 {strides = array<i32>} : memref<1024xf32, #tpu.memory_space<vmem>>, vector<16xf32>,
    %swap3A_81 = arith.constant 592 : index
    %swap3A_82 = tpu.vector_load %arg8[%swap3A_81] {strides = array<i32>} : memref<1024xf32, #tpu.memory_space<vmem>>, vector<16xf32>,
    tpu.vector_store %arg8[%swap3A_81], %broadcast_in_dim3A_7 {strides = array<i32>} : memref<1024xf32, #tpu.memory_space<vmem>>, vector<16xf32>,
    %swap3A_83 = arith.constant 608 : index
    %swap3A_84 = tpu.vector_load %arg8[%swap3A_83] {strides = array<i32>} : memref<1024xf32, #tpu.memory_space<vmem>>, vector<16xf32>,
    tpu.vector_store %arg8[%swap3A_83], %broadcast_in_dim3A_7 {strides = array<i32>} : memref<1024xf32, #tpu.memory_space<vmem>>, vector<16xf32>,
    %swap3A_85 = arith.constant 624 : index
    %swap3A_86 = tpu.vector_load %arg8[%swap3A_85] {strides = array<i32>} : memref<1024xf32, #tpu.memory_space<vmem>>, vector<16xf32>,
    tpu.vector_store %arg8[%swap3A_85], %broadcast_in_dim3A_7 {strides = array<i32>} : memref<1024xf32, #tpu.memory_space<vmem>>, vector<16xf32>,
    %swap3A_87 = arith.constant 640 : index
    %swap3A_88 = tpu.vector_load %arg8[%swap3A_87] {strides = array<i32>} : memref<1024xf32, #tpu.memory_space<vmem>>, vector<16xf32>,
    tpu.vector_store %arg8[%swap3A_87], %broadcast_in_dim3A_7 {strides = array<i32>} : memref<1024xf32, #tpu.memory_space<vmem>>, vector<16xf32>,
    %swap3A_89 = arith.constant 656 : index
    %swap3A_90 = tpu.vector_load %arg8[%swap3A_89] {strides = array<i32>} : memref<1024xf32, #tpu.memory_space<vmem>>, vector<16xf32>,
    tpu.vector_store %arg8[%swap3A_89], %broadcast_in_dim3A_7 {strides = array<i32>} : memref<1024xf32, #tpu.memory_space<vmem>>, vector<16xf32>,
    %swap3A_91 = arith.constant 672 : index
    %swap3A_92 = tpu.vector_load %arg8[%swap3A_91] {strides = array<i32>} : memref<1024xf32, #tpu.memory_space<vmem>>, vector<16xf32>,
    tpu.vector_store %arg8[%swap3A_91], %broadcast_in_dim3A_7 {strides = array<i32>} : memref<1024xf32, #tpu.memory_space<vmem>>, vector<16xf32>,
    %swap3A_93 = arith.constant 688 : index
    %swap3A_94 = tpu.vector_load %arg8[%swap3A_93] {strides = array<i32>} : memref<1024xf32, #tpu.memory_space<vmem>>, vector<16xf32>,
    tpu.vector_store %arg8[%swap3A_93], %broadcast_in_dim3A_7 {strides = array<i32>} : memref<1024xf32, #tpu.memory_space<vmem>>, vector<16xf32>,
    %swap3A_95 = arith.constant 704 : index
    %swap3A_96 = tpu.vector_load %arg8[%swap3A_95] {strides = array<i32>} : memref<1024xf32, #tpu.memory_space<vmem>>, vector<16xf32>,
    tpu.vector_store %arg8[%swap3A_95], %broadcast_in_dim3A_7 {strides = array<i32>} : memref<1024xf32, #tpu.memory_space<vmem>>, vector<16xf32>,
    %swap3A_97 = arith.constant 720 : index
    %swap3A_98 = tpu.vector_load %arg8[%swap3A_97] {strides = array<i32>} : memref<1024xf32, #tpu.memory_space<vmem>>, vector<16xf32>,
    tpu.vector_store %arg8[%swap3A_97], %broadcast_in_dim3A_7 {strides = array<i32>} : memref<1024xf32, #tpu.memory_space<vmem>>, vector<16xf32>,
    %swap3A_99 = arith.constant 736 : index
    %swap3A_100 = tpu.vector_load %arg8[%swap3A_99] {strides = array<i32>} : memref<1024xf32, #tpu.memory_space<vmem>>, vector<16xf32>,
    tpu.vector_store %arg8[%swap3A_99], %broadcast_in_dim3A_7 {strides = array<i32>} : memref<1024xf32, #tpu.memory_space<vmem>>, vector<16xf32>,
    %swap3A_101 = arith.constant 752 : index
    %swap3A_102 = tpu.vector_load %arg8[%swap3A_101] {strides = array<i32>} : memref<1024xf32, #tpu.memory_space<vmem>>, vector<16xf32>,
    tpu.vector_store %arg8[%swap3A_101], %broadcast_in_dim3A_7 {strides = array<i32>} : memref<1024xf32, #tpu.memory_space<vmem>>, vector<16xf32>,
    %swap3A_103 = arith.constant 768 : index
    %swap3A_104 = tpu.vector_load %arg8[%swap3A_103] {strides = array<i32>} : memref<1024xf32, #tpu.memory_space<vmem>>, vector<16xf32>,
    tpu.vector_store %arg8[%swap3A_103], %broadcast_in_dim3A_7 {strides = array<i32>} : memref<1024xf32, #tpu.memory_space<vmem>>, vector<16xf32>,
    %swap3A_105 = arith.constant 784 : index
    %swap3A_106 = tpu.vector_load %arg8[%swap3A_105] {strides = array<i32>} : memref<1024xf32, #tpu.memory_space<vmem>>, vector<16xf32>,
    tpu.vector_store %arg8[%swap3A_105], %broadcast_in_dim3A_7 {strides = array<i32>} : memref<1024xf32, #tpu.memory_space<vmem>>, vector<16xf32>,
    %swap3A_107 = arith.constant 800 : index
    %swap3A_108 = tpu.vector_load %arg8[%swap3A_107] {strides = array<i32>} : memref<1024xf32, #tpu.memory_space<vmem>>, vector<16xf32>,
    tpu.vector_store %arg8[%swap3A_107], %broadcast_in_dim3A_7 {strides = array<i32>} : memref<1024xf32, #tpu.memory_space<vmem>>, vector<16xf32>,
    %swap3A_109 = arith.constant 816 : index
    %swap3A_110 = tpu.vector_load %arg8[%swap3A_109] {strides = array<i32>} : memref<1024xf32, #tpu.memory_space<vmem>>, vector<16xf32>,
    tpu.vector_store %arg8[%swap3A_109], %broadcast_in_dim3A_7 {strides = array<i32>} : memref<1024xf32, #tpu.memory_space<vmem>>, vector<16xf32>,
    %swap3A_111 = arith.constant 832 : index
    %swap3A_112 = tpu.vector_load %arg8[%swap3A_111] {strides = array<i32>} : memref<1024xf32, #tpu.memory_space<vmem>>, vector<16xf32>,
    tpu.vector_store %arg8[%swap3A_111], %broadcast_in_dim3A_7 {strides = array<i32>} : memref<1024xf32, #tpu.memory_space<vmem>>, vector<16xf32>,
    %swap3A_113 = arith.constant 848 : index
    %swap3A_114 = tpu.vector_load %arg8[%swap3A_113] {strides = array<i32>} : memref<1024xf32, #tpu.memory_space<vmem>>, vector<16xf32>,
    tpu.vector_store %arg8[%swap3A_113], %broadcast_in_dim3A_7 {strides = array<i32>} : memref<1024xf32, #tpu.memory_space<vmem>>, vector<16xf32>,
    %swap3A_115 = arith.constant 864 : index
    %swap3A_116 = tpu.vector_load %arg8[%swap3A_115] {strides = array<i32>} : memref<1024xf32, #tpu.memory_space<vmem>>, vector<16xf32>,
    tpu.vector_store %arg8[%swap3A_115], %broadcast_in_dim3A_7 {strides = array<i32>} : memref<1024xf32, #tpu.memory_space<vmem>>, vector<16xf32>,
    %swap3A_117 = arith.constant 880 : index
    %swap3A_118 = tpu.vector_load %arg8[%swap3A_117] {strides = array<i32>} : memref<1024xf32, #tpu.memory_space<vmem>>, vector<16xf32>,
    tpu.vector_store %arg8[%swap3A_117], %broadcast_in_dim3A_7 {strides = array<i32>} : memref<1024xf32, #tpu.memory_space<vmem>>, vector<16xf32>,
    %swap3A_119 = arith.constant 896 : index
    %swap3A_120 = tpu.vector_load %arg8[%swap3A_119] {strides = array<i32>} : memref<1024xf32, #tpu.memory_space<vmem>>, vector<16xf32>,
    tpu.vector_store %arg8[%swap3A_119], %broadcast_in_dim3A_7 {strides = array<i32>} : memref<1024xf32, #tpu.memory_space<vmem>>, vector<16xf32>,
    %swap3A_121 = arith.constant 912 : index
    %swap3A_122 = tpu.vector_load %arg8[%swap3A_121] {strides = array<i32>} : memref<1024xf32, #tpu.memory_space<vmem>>, vector<16xf32>,
    tpu.vector_store %arg8[%swap3A_121], %broadcast_in_dim3A_7 {strides = array<i32>} : memref<1024xf32, #tpu.memory_space<vmem>>, vector<16xf32>,
    %swap3A_123 = arith.constant 928 : index
    %swap3A_124 = tpu.vector_load %arg8[%swap3A_123] {strides = array<i32>} : memref<1024xf32, #tpu.memory_space<vmem>>, vector<16xf32>,
    tpu.vector_store %arg8[%swap3A_123], %broadcast_in_dim3A_7 {strides = array<i32>} : memref<1024xf32, #tpu.memory_space<vmem>>, vector<16xf32>,
    %swap3A_125 = arith.constant 944 : index
    %swap3A_126 = tpu.vector_load %arg8[%swap3A_125] {strides = array<i32>} : memref<1024xf32, #tpu.memory_space<vmem>>, vector<16xf32>,
    tpu.vector_store %arg8[%swap3A_125], %broadcast_in_dim3A_7 {strides = array<i32>} : memref<1024xf32, #tpu.memory_space<vmem>>, vector<16xf32>,
    %swap3A_127 = arith.constant 960 : index
    %swap3A_128 = tpu.vector_load %arg8[%swap3A_127] {strides = array<i32>} : memref<1024xf32, #tpu.memory_space<vmem>>, vector<16xf32>,
    tpu.vector_store %arg8[%swap3A_127], %broadcast_in_dim3A_7 {strides = array<i32>} : memref<1024xf32, #tpu.memory_space<vmem>>, vector<16xf32>,
    %swap3A_129 = arith.constant 976 : index
    %swap3A_130 = tpu.vector_load %arg8[%swap3A_129] {strides = array<i32>} : memref<1024xf32, #tpu.memory_space<vmem>>, vector<16xf32>,
    tpu.vector_store %arg8[%swap3A_129], %broadcast_in_dim3A_7 {strides = array<i32>} : memref<1024xf32, #tpu.memory_space<vmem>>, vector<16xf32>,
    %swap3A_131 = arith.constant 992 : index
    %swap3A_132 = tpu.vector_load %arg8[%swap3A_131] {strides = array<i32>} : memref<1024xf32, #tpu.memory_space<vmem>>, vector<16xf32>,
    tpu.vector_store %arg8[%swap3A_131], %broadcast_in_dim3A_7 {strides = array<i32>} : memref<1024xf32, #tpu.memory_space<vmem>>, vector<16xf32>,
    %swap3A_133 = arith.constant 1008 : index
    %swap3A_134 = tpu.vector_load %arg8[%swap3A_133] {strides = array<i32>} : memref<1024xf32, #tpu.memory_space<vmem>>, vector<16xf32>,
    tpu.vector_store %arg8[%swap3A_133], %broadcast_in_dim3A_7 {strides = array<i32>} : memref<1024xf32, #tpu.memory_space<vmem>>, vector<16xf32>,
    %broadcast_in_dim3A_135 = arith.constant 1.000000e+00 : f32
    %broadcast_in_dim3A_136 = vector.broadcast %broadcast_in_dim3A_135 : f32 to vector<16xf32>
    %get3A = arith.constant 0 : index
    %get3A_137 = tpu.vector_load %arg6[%get3A] {strides = array<i32>} : memref<512xi32, #tpu.memory_space<vmem>>, vector<16xi32>,
    tpu.vector_store_idx %arg8[%get3A_137], %broadcast_in_dim3A_136 {add = true} : memref<1024xf32, #tpu.memory_space<vmem>>[vector<16xi32>], vector<16xf32>,
    %get3A_138 = arith.constant 16 : index
    %get3A_139 = tpu.vector_load %arg6[%get3A_138] {strides = array<i32>} : memref<512xi32, #tpu.memory_space<vmem>>, vector<16xi32>,
    tpu.vector_store_idx %arg8[%get3A_139], %broadcast_in_dim3A_136 {add = true} : memref<1024xf32, #tpu.memory_space<vmem>>[vector<16xi32>], vector<16xf32>,
    %get3A_140 = arith.constant 32 : index
    %get3A_141 = tpu.vector_load %arg6[%get3A_140] {strides = array<i32>} : memref<512xi32, #tpu.memory_space<vmem>>, vector<16xi32>,
    tpu.vector_store_idx %arg8[%get3A_141], %broadcast_in_dim3A_136 {add = true} : memref<1024xf32, #tpu.memory_space<vmem>>[vector<16xi32>], vector<16xf32>,
    %get3A_142 = arith.constant 48 : index
    %get3A_143 = tpu.vector_load %arg6[%get3A_142] {strides = array<i32>} : memref<512xi32, #tpu.memory_space<vmem>>, vector<16xi32>,
    tpu.vector_store_idx %arg8[%get3A_143], %broadcast_in_dim3A_136 {add = true} : memref<1024xf32, #tpu.memory_space<vmem>>[vector<16xi32>], vector<16xf32>,
    %get3A_144 = arith.constant 64 : index
    %get3A_145 = tpu.vector_load %arg6[%get3A_144] {strides = array<i32>} : memref<512xi32, #tpu.memory_space<vmem>>, vector<16xi32>,
    tpu.vector_store_idx %arg8[%get3A_145], %broadcast_in_dim3A_136 {add = true} : memref<1024xf32, #tpu.memory_space<vmem>>[vector<16xi32>], vector<16xf32>,
    %get3A_146 = arith.constant 80 : index
    %get3A_147 = tpu.vector_load %arg6[%get3A_146] {strides = array<i32>} : memref<512xi32, #tpu.memory_space<vmem>>, vector<16xi32>,
    tpu.vector_store_idx %arg8[%get3A_147], %broadcast_in_dim3A_136 {add = true} : memref<1024xf32, #tpu.memory_space<vmem>>[vector<16xi32>], vector<16xf32>,
    %get3A_148 = arith.constant 96 : index
    %get3A_149 = tpu.vector_load %arg6[%get3A_148] {strides = array<i32>} : memref<512xi32, #tpu.memory_space<vmem>>, vector<16xi32>,
    tpu.vector_store_idx %arg8[%get3A_149], %broadcast_in_dim3A_136 {add = true} : memref<1024xf32, #tpu.memory_space<vmem>>[vector<16xi32>], vector<16xf32>,
    %get3A_150 = arith.constant 112 : index
    %get3A_151 = tpu.vector_load %arg6[%get3A_150] {strides = array<i32>} : memref<512xi32, #tpu.memory_space<vmem>>, vector<16xi32>,
    tpu.vector_store_idx %arg8[%get3A_151], %broadcast_in_dim3A_136 {add = true} : memref<1024xf32, #tpu.memory_space<vmem>>[vector<16xi32>], vector<16xf32>,
    %get3A_152 = arith.constant 128 : index
    %get3A_153 = tpu.vector_load %arg6[%get3A_152] {strides = array<i32>} : memref<512xi32, #tpu.memory_space<vmem>>, vector<16xi32>,
    tpu.vector_store_idx %arg8[%get3A_153], %broadcast_in_dim3A_136 {add = true} : memref<1024xf32, #tpu.memory_space<vmem>>[vector<16xi32>], vector<16xf32>,
    %get3A_154 = arith.constant 144 : index
    %get3A_155 = tpu.vector_load %arg6[%get3A_154] {strides = array<i32>} : memref<512xi32, #tpu.memory_space<vmem>>, vector<16xi32>,
    tpu.vector_store_idx %arg8[%get3A_155], %broadcast_in_dim3A_136 {add = true} : memref<1024xf32, #tpu.memory_space<vmem>>[vector<16xi32>], vector<16xf32>,
    %get3A_156 = arith.constant 160 : index
    %get3A_157 = tpu.vector_load %arg6[%get3A_156] {strides = array<i32>} : memref<512xi32, #tpu.memory_space<vmem>>, vector<16xi32>,
    tpu.vector_store_idx %arg8[%get3A_157], %broadcast_in_dim3A_136 {add = true} : memref<1024xf32, #tpu.memory_space<vmem>>[vector<16xi32>], vector<16xf32>,
    %get3A_158 = arith.constant 176 : index
    %get3A_159 = tpu.vector_load %arg6[%get3A_158] {strides = array<i32>} : memref<512xi32, #tpu.memory_space<vmem>>, vector<16xi32>,
    tpu.vector_store_idx %arg8[%get3A_159], %broadcast_in_dim3A_136 {add = true} : memref<1024xf32, #tpu.memory_space<vmem>>[vector<16xi32>], vector<16xf32>,
    %get3A_160 = arith.constant 192 : index
    %get3A_161 = tpu.vector_load %arg6[%get3A_160] {strides = array<i32>} : memref<512xi32, #tpu.memory_space<vmem>>, vector<16xi32>,
    tpu.vector_store_idx %arg8[%get3A_161], %broadcast_in_dim3A_136 {add = true} : memref<1024xf32, #tpu.memory_space<vmem>>[vector<16xi32>], vector<16xf32>,
    %get3A_162 = arith.constant 208 : index
    %get3A_163 = tpu.vector_load %arg6[%get3A_162] {strides = array<i32>} : memref<512xi32, #tpu.memory_space<vmem>>, vector<16xi32>,
    tpu.vector_store_idx %arg8[%get3A_163], %broadcast_in_dim3A_136 {add = true} : memref<1024xf32, #tpu.memory_space<vmem>>[vector<16xi32>], vector<16xf32>,
    %get3A_164 = arith.constant 224 : index
    %get3A_165 = tpu.vector_load %arg6[%get3A_164] {strides = array<i32>} : memref<512xi32, #tpu.memory_space<vmem>>, vector<16xi32>,
    tpu.vector_store_idx %arg8[%get3A_165], %broadcast_in_dim3A_136 {add = true} : memref<1024xf32, #tpu.memory_space<vmem>>[vector<16xi32>], vector<16xf32>,
    %get3A_166 = arith.constant 240 : index
    %get3A_167 = tpu.vector_load %arg6[%get3A_166] {strides = array<i32>} : memref<512xi32, #tpu.memory_space<vmem>>, vector<16xi32>,
    tpu.vector_store_idx %arg8[%get3A_167], %broadcast_in_dim3A_136 {add = true} : memref<1024xf32, #tpu.memory_space<vmem>>[vector<16xi32>], vector<16xf32>,
    %get3A_168 = arith.constant 256 : index
    %get3A_169 = tpu.vector_load %arg6[%get3A_168] {strides = array<i32>} : memref<512xi32, #tpu.memory_space<vmem>>, vector<16xi32>,
    tpu.vector_store_idx %arg8[%get3A_169], %broadcast_in_dim3A_136 {add = true} : memref<1024xf32, #tpu.memory_space<vmem>>[vector<16xi32>], vector<16xf32>,
    %get3A_170 = arith.constant 272 : index
    %get3A_171 = tpu.vector_load %arg6[%get3A_170] {strides = array<i32>} : memref<512xi32, #tpu.memory_space<vmem>>, vector<16xi32>,
    tpu.vector_store_idx %arg8[%get3A_171], %broadcast_in_dim3A_136 {add = true} : memref<1024xf32, #tpu.memory_space<vmem>>[vector<16xi32>], vector<16xf32>,
    %get3A_172 = arith.constant 288 : index
    %get3A_173 = tpu.vector_load %arg6[%get3A_172] {strides = array<i32>} : memref<512xi32, #tpu.memory_space<vmem>>, vector<16xi32>,
    tpu.vector_store_idx %arg8[%get3A_173], %broadcast_in_dim3A_136 {add = true} : memref<1024xf32, #tpu.memory_space<vmem>>[vector<16xi32>], vector<16xf32>,
    %get3A_174 = arith.constant 304 : index
    %get3A_175 = tpu.vector_load %arg6[%get3A_174] {strides = array<i32>} : memref<512xi32, #tpu.memory_space<vmem>>, vector<16xi32>,
    tpu.vector_store_idx %arg8[%get3A_175], %broadcast_in_dim3A_136 {add = true} : memref<1024xf32, #tpu.memory_space<vmem>>[vector<16xi32>], vector<16xf32>,
    %get3A_176 = arith.constant 320 : index
    %get3A_177 = tpu.vector_load %arg6[%get3A_176] {strides = array<i32>} : memref<512xi32, #tpu.memory_space<vmem>>, vector<16xi32>,
    tpu.vector_store_idx %arg8[%get3A_177], %broadcast_in_dim3A_136 {add = true} : memref<1024xf32, #tpu.memory_space<vmem>>[vector<16xi32>], vector<16xf32>,
    %get3A_178 = arith.constant 336 : index
    %get3A_179 = tpu.vector_load %arg6[%get3A_178] {strides = array<i32>} : memref<512xi32, #tpu.memory_space<vmem>>, vector<16xi32>,
    tpu.vector_store_idx %arg8[%get3A_179], %broadcast_in_dim3A_136 {add = true} : memref<1024xf32, #tpu.memory_space<vmem>>[vector<16xi32>], vector<16xf32>,
    %get3A_180 = arith.constant 352 : index
    %get3A_181 = tpu.vector_load %arg6[%get3A_180] {strides = array<i32>} : memref<512xi32, #tpu.memory_space<vmem>>, vector<16xi32>,
    tpu.vector_store_idx %arg8[%get3A_181], %broadcast_in_dim3A_136 {add = true} : memref<1024xf32, #tpu.memory_space<vmem>>[vector<16xi32>], vector<16xf32>,
    %get3A_182 = arith.constant 368 : index
    %get3A_183 = tpu.vector_load %arg6[%get3A_182] {strides = array<i32>} : memref<512xi32, #tpu.memory_space<vmem>>, vector<16xi32>,
    tpu.vector_store_idx %arg8[%get3A_183], %broadcast_in_dim3A_136 {add = true} : memref<1024xf32, #tpu.memory_space<vmem>>[vector<16xi32>], vector<16xf32>,
    %get3A_184 = arith.constant 384 : index
    %get3A_185 = tpu.vector_load %arg6[%get3A_184] {strides = array<i32>} : memref<512xi32, #tpu.memory_space<vmem>>, vector<16xi32>,
    tpu.vector_store_idx %arg8[%get3A_185], %broadcast_in_dim3A_136 {add = true} : memref<1024xf32, #tpu.memory_space<vmem>>[vector<16xi32>], vector<16xf32>,
    %get3A_186 = arith.constant 400 : index
    %get3A_187 = tpu.vector_load %arg6[%get3A_186] {strides = array<i32>} : memref<512xi32, #tpu.memory_space<vmem>>, vector<16xi32>,
    tpu.vector_store_idx %arg8[%get3A_187], %broadcast_in_dim3A_136 {add = true} : memref<1024xf32, #tpu.memory_space<vmem>>[vector<16xi32>], vector<16xf32>,
    %get3A_188 = arith.constant 416 : index
    %get3A_189 = tpu.vector_load %arg6[%get3A_188] {strides = array<i32>} : memref<512xi32, #tpu.memory_space<vmem>>, vector<16xi32>,
    tpu.vector_store_idx %arg8[%get3A_189], %broadcast_in_dim3A_136 {add = true} : memref<1024xf32, #tpu.memory_space<vmem>>[vector<16xi32>], vector<16xf32>,
    %get3A_190 = arith.constant 432 : index
    %get3A_191 = tpu.vector_load %arg6[%get3A_190] {strides = array<i32>} : memref<512xi32, #tpu.memory_space<vmem>>, vector<16xi32>,
    tpu.vector_store_idx %arg8[%get3A_191], %broadcast_in_dim3A_136 {add = true} : memref<1024xf32, #tpu.memory_space<vmem>>[vector<16xi32>], vector<16xf32>,
    %get3A_192 = arith.constant 448 : index
    %get3A_193 = tpu.vector_load %arg6[%get3A_192] {strides = array<i32>} : memref<512xi32, #tpu.memory_space<vmem>>, vector<16xi32>,
    tpu.vector_store_idx %arg8[%get3A_193], %broadcast_in_dim3A_136 {add = true} : memref<1024xf32, #tpu.memory_space<vmem>>[vector<16xi32>], vector<16xf32>,
    %get3A_194 = arith.constant 464 : index
    %get3A_195 = tpu.vector_load %arg6[%get3A_194] {strides = array<i32>} : memref<512xi32, #tpu.memory_space<vmem>>, vector<16xi32>,
    tpu.vector_store_idx %arg8[%get3A_195], %broadcast_in_dim3A_136 {add = true} : memref<1024xf32, #tpu.memory_space<vmem>>[vector<16xi32>], vector<16xf32>,
    %get3A_196 = arith.constant 480 : index
    %get3A_197 = tpu.vector_load %arg6[%get3A_196] {strides = array<i32>} : memref<512xi32, #tpu.memory_space<vmem>>, vector<16xi32>,
    tpu.vector_store_idx %arg8[%get3A_197], %broadcast_in_dim3A_136 {add = true} : memref<1024xf32, #tpu.memory_space<vmem>>[vector<16xi32>], vector<16xf32>,
    %get3A_198 = arith.constant 496 : index
    %get3A_199 = tpu.vector_load %arg6[%get3A_198] {strides = array<i32>} : memref<512xi32, #tpu.memory_space<vmem>>, vector<16xi32>,
    tpu.vector_store_idx %arg8[%get3A_199], %broadcast_in_dim3A_136 {add = true} : memref<1024xf32, #tpu.memory_space<vmem>>[vector<16xi32>], vector<16xf32>,
    "tpu.region"() ({
      %run_scoped3A = tpu.sem_alloc : memref<!tpu.dma_semaphore, #tpu.memory_space<semaphore_mem>>
      %dma_start3A_200 = arith.constant 0 : i32
      %dma_start3A_201 = tpu.memref_slice %arg5[%add3A, %dma_start3A_200] : memref<32x1024xf32, #tpu.memory_space<hbm>> -> memref<1x1024xf32, #tpu.memory_space<hbm>>
      %dma_start3A_202 = tpu.memref_squeeze %dma_start3A_201 : memref<1x1024xf32, #tpu.memory_space<hbm>> -> memref<1024xf32, #tpu.memory_space<hbm>>
      %dma_start3A_203 = arith.constant 0 : i32
      %dma_start3A_204 = tpu.memref_slice %arg5[%add3A, %dma_start3A_203] : memref<32x1024xf32, #tpu.memory_space<hbm>> -> memref<1x1024xf32, #tpu.memory_space<hbm>>
      %dma_start3A_205 = tpu.memref_squeeze %dma_start3A_204 : memref<1x1024xf32, #tpu.memory_space<hbm>> -> memref<1024xf32, #tpu.memory_space<hbm>>
      tpu.enqueue_dma source(%arg8 : memref<1024xf32, #tpu.memory_space<vmem>>) target(%dma_start3A_205 : memref<1024xf32, #tpu.memory_space<hbm>>) target_semaphore(%run_scoped3A : memref<!tpu.dma_semaphore, #tpu.memory_space<semaphore_mem>>)
      %dma_wait3A_206 = arith.constant 0 : i32
      %dma_wait3A_207 = tpu.memref_slice %arg5[%add3A, %dma_wait3A_206] : memref<32x1024xf32, #tpu.memory_space<hbm>> -> memref<1x1024xf32, #tpu.memory_space<hbm>>
      %dma_wait3A_208 = tpu.memref_squeeze %dma_wait3A_207 : memref<1x1024xf32, #tpu.memory_space<hbm>> -> memref<1024xf32, #tpu.memory_space<hbm>>
      %dma_wait3A_209 = arith.constant 0 : i32
      %dma_wait3A_210 = tpu.memref_slice %arg5[%add3A, %dma_wait3A_209] : memref<32x1024xf32, #tpu.memory_space<hbm>> -> memref<1x1024xf32, #tpu.memory_space<hbm>>
      %dma_wait3A_211 = tpu.memref_squeeze %dma_wait3A_210 : memref<1x1024xf32, #tpu.memory_space<hbm>> -> memref<1024xf32, #tpu.memory_space<hbm>>
      tpu.wait_dma2 semaphore(%run_scoped3A : memref<!tpu.dma_semaphore, #tpu.memory_space<semaphore_mem>>) src(%arg8 : memref<1024xf32, #tpu.memory_space<vmem>>) dst(%dma_wait3A_211 : memref<1024xf32, #tpu.memory_space<hbm>>)
      tpu.yield
    }) : () -> ()
    return
  }
}

module attributes {stable_mosaic.version = 14 : i64} {
  func.func @_tc1_kernel(%arg0: i32, %arg1: memref<1x4096x64xf32, #tpu.memory_space<vmem>>, %arg2: memref<1x4096x64xf32, #tpu.memory_space<vmem>>, %arg3: memref<64x1024xf32, #tpu.memory_space<vmem>>, %arg4: memref<64x64xf32, #tpu.memory_space<vmem>>, %arg5: memref<1x64xf32, #tpu.memory_space<vmem>>, %arg6: memref<64x64xf32, #tpu.memory_space<vmem>>, %arg7: memref<1024x64xf32, #tpu.memory_space<vmem>>, %arg8: memref<1x4096x1xi32, #tpu.memory_space<vmem>>, %arg9: memref<1x1x1xf32, #tpu.memory_space<vmem>>, %arg10: memref<1024x128xf32, #tpu.memory_space<vmem>>) attributes {dimension_semantics = [#tpu.dimension_semantics<arbitrary>], iteration_bounds = array<i64: 4>, scalar_prefetch = 0 : i64, scratch_operands = 0 : i64, tpu.core_type = #tpu.core_type<tc>, window_params = [{transform_indices = @transform_0, window_bounds = array<i64: 1, 4096, 64>}, {transform_indices = @transform_1, window_bounds = array<i64: 1, 4096, 64>}, {pipeline_mode = #tpu.pipeline_mode<synchronous>, transform_indices = @transform_2, window_bounds = array<i64: 64, 1024>}, {pipeline_mode = #tpu.pipeline_mode<synchronous>, transform_indices = @transform_3, window_bounds = array<i64: 64, 64>}, {pipeline_mode = #tpu.pipeline_mode<synchronous>, transform_indices = @transform_4, window_bounds = array<i64: 1, 64>}, {pipeline_mode = #tpu.pipeline_mode<synchronous>, transform_indices = @transform_5, window_bounds = array<i64: 64, 64>}, {pipeline_mode = #tpu.pipeline_mode<synchronous>, transform_indices = @transform_6, window_bounds = array<i64: 1024, 64>}, {transform_indices = @transform_7, window_bounds = array<i64: 1, 4096, 1>}, {transform_indices = @transform_8, window_bounds = array<i64: 1, 1, 1>}, {pipeline_mode = #tpu.pipeline_mode<synchronous>, transform_indices = @transform_9, window_bounds = array<i64: 1024, 128>}]} {
    %get3A = arith.constant 0 : index
    %get3A_0 = arith.constant 0 : index
    %get3A_1 = arith.constant 0 : index
    %get3A_2 = vector.load %arg1[%get3A, %get3A_0, %get3A_1] : memref<1x4096x64xf32, #tpu.memory_space<vmem>>, vector<1x4096x64xf32>
    %get3A_3 = vector.shape_cast %get3A_2 : vector<1x4096x64xf32> to vector<4096x64xf32>
    %get3A_4 = arith.constant 0 : index
    %get3A_5 = arith.constant 0 : index
    %get3A_6 = arith.constant 0 : index
    %get3A_7 = vector.load %arg2[%get3A_4, %get3A_5, %get3A_6] : memref<1x4096x64xf32, #tpu.memory_space<vmem>>, vector<1x4096x64xf32>
    %get3A_8 = vector.shape_cast %get3A_7 : vector<1x4096x64xf32> to vector<4096x64xf32>
    %get3A_9 = arith.constant 0 : index
    %get3A_10 = arith.constant 0 : index
    %get3A_11 = vector.load %arg3[%get3A_9, %get3A_10] : memref<64x1024xf32, #tpu.memory_space<vmem>>, vector<64x1024xf32>
    %sub3A = arith.subf %get3A_3, %get3A_8 : vector<4096x64xf32>
    %get3A_12 = arith.constant 0 : index
    %get3A_13 = arith.constant 0 : index
    %get3A_14 = vector.load %arg4[%get3A_12, %get3A_13] : memref<64x64xf32, #tpu.memory_space<vmem>>, vector<64x64xf32>
    %dot_general3A = arith.constant dense<0.000000e+00> : vector<4096x64xf32>
    %dot_general3A_15 = tpu.matmul %sub3A, %get3A_14, %dot_general3A {dimension_numbers = #tpu.dot_dimension_numbers<[1], [0], [0], [1], [0, 0, 1, 1], [], []>, transpose_lhs_hint = false} : vector<4096x64xf32>, vector<64x64xf32>, vector<4096x64xf32> -> vector<4096x64xf32>
    %get3A_16 = arith.constant 0 : index
    %get3A_17 = arith.constant 0 : index
    %get3A_18 = vector.load %arg5[%get3A_16, %get3A_17] : memref<1x64xf32, #tpu.memory_space<vmem>>, vector<1x64xf32>
    %add3A = vector.broadcast %get3A_18 : vector<1x64xf32> to vector<4096x64xf32>
    %add3A_19 = arith.addf %dot_general3A_15, %add3A : vector<4096x64xf32>
    %mul3A = arith.mulf %get3A_11, %get3A_11 : vector<64x1024xf32>
    %reduce_sum3A = arith.constant dense<0.000000e+00> : vector<1024xf32>
    %reduce_sum3A_20 = vector.multi_reduction <add>, %mul3A, %reduce_sum3A [0] : vector<64x1024xf32> to vector<1024xf32>
    %reshape3A = vector.shape_cast %reduce_sum3A_20 : vector<1024xf32> to vector<1x1024xf32>
    %dot_general3A_21 = arith.constant dense<0.000000e+00> : vector<4096x1024xf32>
    %dot_general3A_22 = tpu.matmul %add3A_19, %get3A_11, %dot_general3A_21 {dimension_numbers = #tpu.dot_dimension_numbers<[1], [0], [0], [1], [0, 0, 1, 1], [], []>, transpose_lhs_hint = false} : vector<4096x64xf32>, vector<64x1024xf32>, vector<4096x1024xf32> -> vector<4096x1024xf32>
    %mul3A_23 = arith.constant 2.000000e+00 : f32
    %mul3A_24 = vector.broadcast %mul3A_23 : f32 to vector<4096x1024xf32>
    %mul3A_25 = arith.mulf %mul3A_24, %dot_general3A_22 : vector<4096x1024xf32>
    %sub3A_26 = vector.broadcast %reshape3A : vector<1x1024xf32> to vector<4096x1024xf32>
    %sub3A_27 = arith.subf %sub3A_26, %mul3A_25 : vector<4096x1024xf32>
    %reduce_min3A = arith.constant dense<0x7F800000> : vector<4096xf32>
    %reduce_min3A_28 = vector.multi_reduction <minimumf>, %sub3A_27, %reduce_min3A [1] : vector<4096x1024xf32> to vector<4096xf32>
    %reshape3A_29 = vector.shape_cast %reduce_min3A_28 : vector<4096xf32> to vector<4096x1xf32>
    %iota3A = tpu.iota {dimensions = array<i32: 1>} : vector<4096x1024xi32>
    %le3A = vector.broadcast %reshape3A_29 : vector<4096x1xf32> to vector<4096x1024xf32>
    %le3A_30 = arith.cmpf ole, %sub3A_27, %le3A : vector<4096x1024xf32>
    %jit3A = arith.constant 1024 : i32
    %broadcast_in_dim3A = vector.broadcast %jit3A : i32 to vector<4096x1024xi32>
    %select_n3A = arith.select %le3A_30, %iota3A, %broadcast_in_dim3A : vector<4096x1024xi1>, vector<4096x1024xi32>
    %reduce_min3A_31 = arith.constant dense<2147483647> : vector<4096xi32>
    %reduce_min3A_32 = vector.multi_reduction <minsi>, %select_n3A, %reduce_min3A_31 [1] : vector<4096x1024xi32> to vector<4096xi32>
    %reshape3A_33 = vector.shape_cast %reduce_min3A_32 : vector<4096xi32> to vector<4096x1xi32>
    %swap3A = arith.constant 0 : index
    %swap3A_34 = arith.constant 0 : index
    %swap3A_35 = arith.constant 0 : index
    %swap3A_36 = vector.load %arg8[%swap3A, %swap3A_34, %swap3A_35] : memref<1x4096x1xi32, #tpu.memory_space<vmem>>, vector<1x4096x1xi32>
    %swap3A_37 = vector.shape_cast %swap3A_36 : vector<1x4096x1xi32> to vector<4096x1xi32>
    %swap3A_38 = vector.shape_cast %reshape3A_33 : vector<4096x1xi32> to vector<1x4096x1xi32>
    tpu.vector_store %arg8[%swap3A, %swap3A_34, %swap3A_35], %swap3A_38 {strides = array<i32>} : memref<1x4096x1xi32, #tpu.memory_space<vmem>>, vector<1x4096x1xi32>,
    %reduce_sum3A_39 = vector.shape_cast %reshape3A_29 : vector<4096x1xf32> to vector<1x4096x1xf32>
    %reduce_sum3A_40 = arith.constant dense<0.000000e+00> : vector<1xf32>
    %reduce_sum3A_41 = vector.multi_reduction <add>, %reduce_sum3A_39, %reduce_sum3A_40 [1, 2] : vector<1x4096x1xf32> to vector<1xf32>
    %reduce_sum3A_42 = vector.shape_cast %reduce_sum3A_41 : vector<1xf32> to vector<1x1x1xf32>
    %reduce_sum3A_43 = vector.extract %reduce_sum3A_42[0, 0, 0] : f32 from vector<1x1x1xf32>
    %mul3A_44 = arith.mulf %add3A_19, %add3A_19 : vector<4096x64xf32>
    %reduce_sum3A_45 = vector.shape_cast %mul3A_44 : vector<4096x64xf32> to vector<1x4096x64xf32>
    %reduce_sum3A_46 = arith.constant dense<0.000000e+00> : vector<1xf32>
    %reduce_sum3A_47 = vector.multi_reduction <add>, %reduce_sum3A_45, %reduce_sum3A_46 [1, 2] : vector<1x4096x64xf32> to vector<1xf32>
    %reduce_sum3A_48 = vector.shape_cast %reduce_sum3A_47 : vector<1xf32> to vector<1x1x1xf32>
    %reduce_sum3A_49 = vector.extract %reduce_sum3A_48[0, 0, 0] : f32 from vector<1x1x1xf32>
    %add3A_50 = arith.addf %reduce_sum3A_43, %reduce_sum3A_49 : f32
    %mul3A_51 = arith.constant 3.81469727E-6 : f32
    %mul3A_52 = arith.mulf %add3A_50, %mul3A_51 : f32
    %reshape3A_53 = vector.broadcast %mul3A_52 : f32 to vector<1x1x1xf32>
    %swap3A_54 = arith.constant 0 : index
    %swap3A_55 = arith.constant 0 : index
    %swap3A_56 = arith.constant 0 : index
    %swap3A_57 = vector.load %arg9[%swap3A_54, %swap3A_55, %swap3A_56] : memref<1x1x1xf32, #tpu.memory_space<vmem>>, vector<1x1x1xf32>
    tpu.vector_store %arg9[%swap3A_54, %swap3A_55, %swap3A_56], %reshape3A_53 {strides = array<i32>} : memref<1x1x1xf32, #tpu.memory_space<vmem>>, vector<1x1x1xf32>,
    %eq3A = arith.constant 0 : i32
    %eq3A_58 = arith.cmpi eq, %arg0, %eq3A : i32
    %convert_element_type3A = arith.extui %eq3A_58 : i1 to i32
    %cond3A = arith.constant 0 : i32
    %cond3A_59 = arith.cmpi ne, %convert_element_type3A, %cond3A : i32
    scf.if %cond3A_59 {
      %get3A_60 = arith.constant 0 : index
      %get3A_61 = arith.constant 0 : index
      %get3A_62 = vector.load %arg7[%get3A_60, %get3A_61] : memref<1024x64xf32, #tpu.memory_space<vmem>>, vector<1024x64xf32>
      %get3A_63 = arith.constant 0 : index
      %get3A_64 = arith.constant 0 : index
      %get3A_65 = vector.load %arg6[%get3A_63, %get3A_64] : memref<64x64xf32, #tpu.memory_space<vmem>>, vector<64x64xf32>
      %dot_general3A_66 = arith.constant dense<0.000000e+00> : vector<1024x64xf32>
      %dot_general3A_67 = tpu.matmul %get3A_62, %get3A_65, %dot_general3A_66 {dimension_numbers = #tpu.dot_dimension_numbers<[1], [0], [0], [1], [0, 0, 1, 1], [], []>, transpose_lhs_hint = false} : vector<1024x64xf32>, vector<64x64xf32>, vector<1024x64xf32> -> vector<1024x64xf32>
      %jit3A_68 = arith.constant 0 : i32
      %convert_element_type3A_69 = arith.sitofp %jit3A_68 : i32 to f32
      %pad3A = vector.broadcast %convert_element_type3A_69 : f32 to vector<1024x64xf32>
      %pad3A_70 = tpu.concatenate %dot_general3A_67, %pad3A in 1 : vector<1024x64xf32>, vector<1024x64xf32> -> vector<1024x128xf32>
      %swap3A_71 = arith.constant 0 : index
      %swap3A_72 = arith.constant 0 : index
      %swap3A_73 = vector.load %arg10[%swap3A_71, %swap3A_72] : memref<1024x128xf32, #tpu.memory_space<vmem>>, vector<1024x128xf32>
      tpu.vector_store %arg10[%swap3A_71, %swap3A_72], %pad3A_70 {strides = array<i32>} : memref<1024x128xf32, #tpu.memory_space<vmem>>, vector<1024x128xf32>,
    } else {
    }
    return
  }
  func.func @transform_0(%arg0: i32) -> (i32, i32, i32) {
    %c0_i32 = arith.constant 0 : i32
    %c0_i32_0 = arith.constant 0 : i32
    %c0_i32_1 = arith.constant 0 : i32
    return %arg0, %c0_i32, %c0_i32_0 : i32, i32, i32
  }
  func.func @transform_1(%arg0: i32) -> (i32, i32, i32) {
    %c0_i32 = arith.constant 0 : i32
    %c0_i32_0 = arith.constant 0 : i32
    %c0_i32_1 = arith.constant 0 : i32
    return %arg0, %c0_i32, %c0_i32_0 : i32, i32, i32
  }
  func.func @transform_2(%arg0: i32) -> (i32, i32) {
    %c0_i32 = arith.constant 0 : i32
    %c0_i32_0 = arith.constant 0 : i32
    %c0_i32_1 = arith.constant 0 : i32
    return %c0_i32, %c0_i32_0 : i32, i32
  }
  func.func @transform_3(%arg0: i32) -> (i32, i32) {
    %c0_i32 = arith.constant 0 : i32
    %c0_i32_0 = arith.constant 0 : i32
    %c0_i32_1 = arith.constant 0 : i32
    return %c0_i32, %c0_i32_0 : i32, i32
  }
  func.func @transform_4(%arg0: i32) -> (i32, i32) {
    %c0_i32 = arith.constant 0 : i32
    %c0_i32_0 = arith.constant 0 : i32
    %c0_i32_1 = arith.constant 0 : i32
    return %c0_i32, %c0_i32_0 : i32, i32
  }
  func.func @transform_5(%arg0: i32) -> (i32, i32) {
    %c0_i32 = arith.constant 0 : i32
    %c0_i32_0 = arith.constant 0 : i32
    %c0_i32_1 = arith.constant 0 : i32
    return %c0_i32, %c0_i32_0 : i32, i32
  }
  func.func @transform_6(%arg0: i32) -> (i32, i32) {
    %c0_i32 = arith.constant 0 : i32
    %c0_i32_0 = arith.constant 0 : i32
    %c0_i32_1 = arith.constant 0 : i32
    return %c0_i32, %c0_i32_0 : i32, i32
  }
  func.func @transform_7(%arg0: i32) -> (i32, i32, i32) {
    %c0_i32 = arith.constant 0 : i32
    %c0_i32_0 = arith.constant 0 : i32
    %c0_i32_1 = arith.constant 0 : i32
    return %arg0, %c0_i32, %c0_i32_0 : i32, i32, i32
  }
  func.func @transform_8(%arg0: i32) -> (i32, i32, i32) {
    %c0_i32 = arith.constant 0 : i32
    %c0_i32_0 = arith.constant 0 : i32
    %c0_i32_1 = arith.constant 0 : i32
    return %arg0, %c0_i32, %c0_i32_0 : i32, i32, i32
  }
  func.func @transform_9(%arg0: i32) -> (i32, i32) {
    %c0_i32 = arith.constant 0 : i32
    %c0_i32_0 = arith.constant 0 : i32
    %c0_i32_1 = arith.constant 0 : i32
    return %c0_i32, %c0_i32_0 : i32, i32
  }
}

module attributes {stable_mosaic.version = 14 : i64} {
  func.func @_tc2_kernel(%arg0: i32, %arg1: memref<1x4096x128xf32, #tpu.memory_space<vmem>>, %arg2: memref<1x4096x64xf32, #tpu.memory_space<vmem>>, %arg3: memref<64x64xf32, #tpu.memory_space<vmem>>, %arg4: memref<1x64xf32, #tpu.memory_space<vmem>>, %arg5: memref<8x1024xf32, #tpu.memory_space<vmem>>, %arg6: memref<1x4096x64xf32, #tpu.memory_space<vmem>>, %arg7: memref<1x1x1xf32, #tpu.memory_space<vmem>>) attributes {dimension_semantics = [#tpu.dimension_semantics<arbitrary>], iteration_bounds = array<i64: 4>, scalar_prefetch = 0 : i64, scratch_operands = 0 : i64, tpu.core_type = #tpu.core_type<tc>, window_params = [{transform_indices = @transform_0, window_bounds = array<i64: 1, 4096, 128>}, {transform_indices = @transform_1, window_bounds = array<i64: 1, 4096, 64>}, {pipeline_mode = #tpu.pipeline_mode<synchronous>, transform_indices = @transform_2, window_bounds = array<i64: 64, 64>}, {pipeline_mode = #tpu.pipeline_mode<synchronous>, transform_indices = @transform_3, window_bounds = array<i64: 1, 64>}, {transform_indices = @transform_4, window_bounds = array<i64: 8, 1024>}, {transform_indices = @transform_5, window_bounds = array<i64: 1, 4096, 64>}, {transform_indices = @transform_6, window_bounds = array<i64: 1, 1, 1>}]} {
    %get3A = arith.constant 0 : index
    %get3A_0 = arith.constant 0 : index
    %get3A_1 = arith.constant 0 : index
    %get3A_2 = vector.load %arg1[%get3A, %get3A_0, %get3A_1] : memref<1x4096x128xf32, #tpu.memory_space<vmem>>, vector<1x4096x64xf32>
    %get3A_3 = vector.shape_cast %get3A_2 : vector<1x4096x64xf32> to vector<4096x64xf32>
    %get3A_4 = arith.constant 0 : index
    %get3A_5 = arith.constant 0 : index
    %get3A_6 = arith.constant 0 : index
    %get3A_7 = vector.load %arg2[%get3A_4, %get3A_5, %get3A_6] : memref<1x4096x64xf32, #tpu.memory_space<vmem>>, vector<1x4096x64xf32>
    %get3A_8 = vector.shape_cast %get3A_7 : vector<1x4096x64xf32> to vector<4096x64xf32>
    %get3A_9 = arith.constant 0 : index
    %get3A_10 = arith.constant 0 : index
    %get3A_11 = vector.load %arg3[%get3A_9, %get3A_10] : memref<64x64xf32, #tpu.memory_space<vmem>>, vector<64x64xf32>
    %dot_general3A = arith.constant dense<0.000000e+00> : vector<4096x64xf32>
    %dot_general3A_12 = tpu.matmul %get3A_8, %get3A_11, %dot_general3A {dimension_numbers = #tpu.dot_dimension_numbers<[1], [0], [0], [1], [0, 0, 1, 1], [], []>, transpose_lhs_hint = false} : vector<4096x64xf32>, vector<64x64xf32>, vector<4096x64xf32> -> vector<4096x64xf32>
    %add3A = arith.addf %get3A_3, %dot_general3A_12 : vector<4096x64xf32>
    %get3A_13 = arith.constant 0 : index
    %get3A_14 = arith.constant 0 : index
    %get3A_15 = vector.load %arg4[%get3A_13, %get3A_14] : memref<1x64xf32, #tpu.memory_space<vmem>>, vector<1x64xf32>
    %add3A_16 = vector.broadcast %get3A_15 : vector<1x64xf32> to vector<4096x64xf32>
    %add3A_17 = arith.addf %add3A, %add3A_16 : vector<4096x64xf32>
    %swap3A = arith.constant 0 : index
    %swap3A_18 = arith.constant 0 : index
    %swap3A_19 = arith.constant 0 : index
    %swap3A_20 = vector.load %arg6[%swap3A, %swap3A_18, %swap3A_19] : memref<1x4096x64xf32, #tpu.memory_space<vmem>>, vector<1x4096x64xf32>
    %swap3A_21 = vector.shape_cast %swap3A_20 : vector<1x4096x64xf32> to vector<4096x64xf32>
    %swap3A_22 = vector.shape_cast %add3A_17 : vector<4096x64xf32> to vector<1x4096x64xf32>
    tpu.vector_store %arg6[%swap3A, %swap3A_18, %swap3A_19], %swap3A_22 {strides = array<i32>} : memref<1x4096x64xf32, #tpu.memory_space<vmem>>, vector<1x4096x64xf32>,
    %get3A_23 = arith.constant 0 : index
    %get3A_24 = arith.constant 0 : index
    %get3A_25 = vector.load %arg5[%get3A_23, %get3A_24] : memref<8x1024xf32, #tpu.memory_space<vmem>>, vector<8x1024xf32>
    %reduce_sum3A = arith.constant dense<0.000000e+00> : vector<1024xf32>
    %reduce_sum3A_26 = vector.multi_reduction <add>, %get3A_25, %reduce_sum3A [0] : vector<8x1024xf32> to vector<1024xf32>
    %reshape3A = vector.shape_cast %reduce_sum3A_26 : vector<1024xf32> to vector<1x1024xf32>
    %mul3A = arith.constant 2.44140625E-4 : f32
    %mul3A_27 = vector.broadcast %mul3A : f32 to vector<1x1024xf32>
    %mul3A_28 = arith.mulf %reshape3A, %mul3A_27 : vector<1x1024xf32>
    %mul3A_29 = arith.constant 1.024000e+03 : f32
    %mul3A_30 = vector.broadcast %mul3A_29 : f32 to vector<1x1024xf32>
    %mul3A_31 = arith.mulf %mul3A_28, %mul3A_30 : vector<1x1024xf32>
    %add3A_32 = arith.constant 1.000000e-10 : f32
    %add3A_33 = vector.broadcast %add3A_32 : f32 to vector<1x1024xf32>
    %add3A_34 = arith.addf %mul3A_31, %add3A_33 : vector<1x1024xf32>
    %log3A = math.log %add3A_34 : vector<1x1024xf32>
    %mul3A_35 = arith.mulf %mul3A_28, %log3A : vector<1x1024xf32>
    %reduce_sum3A_36 = vector.shape_cast %mul3A_35 : vector<1x1024xf32> to vector<1x1x1024xf32>
    %reduce_sum3A_37 = arith.constant dense<0.000000e+00> : vector<1xf32>
    %reduce_sum3A_38 = vector.multi_reduction <add>, %reduce_sum3A_36, %reduce_sum3A_37 [1, 2] : vector<1x1x1024xf32> to vector<1xf32>
    %reduce_sum3A_39 = vector.shape_cast %reduce_sum3A_38 : vector<1xf32> to vector<1x1x1xf32>
    %reduce_sum3A_40 = vector.extract %reduce_sum3A_39[0, 0, 0] : f32 from vector<1x1x1xf32>
    %reshape3A_41 = vector.broadcast %reduce_sum3A_40 : f32 to vector<1x1x1xf32>
    %swap3A_42 = arith.constant 0 : index
    %swap3A_43 = arith.constant 0 : index
    %swap3A_44 = arith.constant 0 : index
    %swap3A_45 = vector.load %arg7[%swap3A_42, %swap3A_43, %swap3A_44] : memref<1x1x1xf32, #tpu.memory_space<vmem>>, vector<1x1x1xf32>
    tpu.vector_store %arg7[%swap3A_42, %swap3A_43, %swap3A_44], %reshape3A_41 {strides = array<i32>} : memref<1x1x1xf32, #tpu.memory_space<vmem>>, vector<1x1x1xf32>,
    return
  }
  func.func @transform_0(%arg0: i32) -> (i32, i32, i32) {
    %c0_i32 = arith.constant 0 : i32
    %c0_i32_0 = arith.constant 0 : i32
    %c0_i32_1 = arith.constant 0 : i32
    return %arg0, %c0_i32, %c0_i32_0 : i32, i32, i32
  }
  func.func @transform_1(%arg0: i32) -> (i32, i32, i32) {
    %c0_i32 = arith.constant 0 : i32
    %c0_i32_0 = arith.constant 0 : i32
    %c0_i32_1 = arith.constant 0 : i32
    return %arg0, %c0_i32, %c0_i32_0 : i32, i32, i32
  }
  func.func @transform_2(%arg0: i32) -> (i32, i32) {
    %c0_i32 = arith.constant 0 : i32
    %c0_i32_0 = arith.constant 0 : i32
    %c0_i32_1 = arith.constant 0 : i32
    return %c0_i32, %c0_i32_0 : i32, i32
  }
  func.func @transform_3(%arg0: i32) -> (i32, i32) {
    %c0_i32 = arith.constant 0 : i32
    %c0_i32_0 = arith.constant 0 : i32
    %c0_i32_1 = arith.constant 0 : i32
    return %c0_i32, %c0_i32_0 : i32, i32
  }
  func.func @transform_4(%arg0: i32) -> (i32, i32) {
    %c0_i32 = arith.constant 0 : i32
    %c0_i32_0 = arith.constant 0 : i32
    return %arg0, %c0_i32 : i32, i32
  }
  func.func @transform_5(%arg0: i32) -> (i32, i32, i32) {
    %c0_i32 = arith.constant 0 : i32
    %c0_i32_0 = arith.constant 0 : i32
    %c0_i32_1 = arith.constant 0 : i32
    return %arg0, %c0_i32, %c0_i32_0 : i32, i32, i32
  }
  func.func @transform_6(%arg0: i32) -> (i32, i32, i32) {
    %c0_i32 = arith.constant 0 : i32
    %c0_i32_0 = arith.constant 0 : i32
    %c0_i32_1 = arith.constant 0 : i32
    return %arg0, %c0_i32, %c0_i32_0 : i32, i32, i32
  }
}

</mosaic_0001>

<sc_bundles>
// kernel: kernel.5.cloned.1.call-start
scs
__scs_entry_jumppad:
0x0: {  	(pc) =	sbr.rel $0x88, $3  }
0x1: {  	(tag) =	ssettag $0x0;
	lr =	simm.s32 $0x1  }
0x2: {  	[smem:$0x3F9A] =	sst lr;
	_ =	strace $0xD0000000  }
0x3: {  	_ = 	snop  }
0x4: {  	_ = 	snop  }
0x5: {  	_ = 	snop  }
0x6: {  	_ = 	snop  }
0x7: {  	_ = 	snop  }
__scs_overlays_trampoline_lowered:
0x8: {  	[smem:$0x3FA9] =	sst s0  }
0x9: {  	[smem:$0x3FAA] =	sst s1  }
0xa: {  	[smem:$0x3FAB] =	sst s2  }
0xb: {  	[smem:$0x3FAC] =	sst s3  }
0xc: {  	[smem:$0x3FAD] =	sst s4  }
0xd: {  	[smem:$0x3FAE] =	sst s5  }
0xe: {  	[smem:$0x3FAF] =	sst s6  }
0xf: {  	[smem:$0x3FB0] =	sst s7  }
0x10: {  	[smem:$0x3FB1] =	sst s8  }
0x11: {  	[smem:$0x3FB2] =	sst s9;
	s0 =	simm.s32 @!p0 $0x0  }
0x12: {  	s1 =	sld [smem:$0x3F98];
	s0 =	simm.s32 @p0 $0x1  }
0x13: {  	[smem:$0x3FB3] =	sst s0;
	s0 =	simm.s32 @!p1 $0x0  }
0x14: {  	s2 =	sld [smem:$0x3F97];
	s0 =	simm.s32 @p1 $0x1  }
0x15: {  	[smem:$0x3FB4] =	sst s0;
	s0 =	simm.s32 @!p2 $0x0  }
0x16: {  	s3 =	sld [smem:$0x3FDB];
	s0 =	simm.s32 @p2 $0x1  }
0x17: {  	s4 =	simm.s32 $0x1BF5;
	[smem:$0x3FB6] =	sst s0  }
0x18: {  	s0 =	sld [smem:$0x3F99];
	_ =	swait.ge [sflag:s4], $0x0  }
0x19: {  	s7 =	sld [smem:$0x3F9A]  }
0x1a: {  	s8 =	sadd.s32 $0xFFFFE003, lr  }
0x1b: {  	s9 =	sadd.s32 $0xFFFFFEF7, lr;
	s5 =	simm.s32 $0xFFFFFFFF;
	p2 =	slt.u32 s8, $0xFFFFF086  }
0x1c: {  	p1 =	slt.u32 s9, $0xF7A;
	s5 =	simm.s32 @!p2 $0x0  }
0x1d: {  	s5 =	simm.s32 @p1 $0x1;
	p0 =	seq.s32 s7, s2  }
0x1e: {  	s7 =	smul.u32 @!p0 $0xF7A, s2;
	p2 =	seq.s32 @!p0 s5, $0x0  }
0x1f: {  	s9 =	smul.u32 $0xF7A, s1;
	s8 =	simm.s32 @!p0 $0x1BF5;
	p2 =	por !p2, p0  }
0x20: {  	[sflag:s8] =	ssyncset.s32 @!p0 $0xFFFFF086;
	s6 =	sadd.s32 @!p0 s3, s7;
	s7 =	simm.s32 @!p0 $0x108  }
0x21: {  	s3 =	sadd.s32 s3, s9;
	s6 =	sadd.s32 @!p0 $0x88, s6;
	s7 =	simm.s32 @p2 $0x1082  }
0x22: {  	[simem:s7], [sflag:s8] =	dma.local @!p0 [hbm:s6], $0xF7A  }
0x23: {  	s9 =	sor.u32 $0xD0000000, s2;
	s6 =	simm.s32 $0x108;
	_ =	swait.ge @!p0 [sflag:s8], $0x0  }
0x24: {  	s3 =	sadd.s32 $0x88, s3;
	s6 =	simm.s32 @!p1 $0x1082;
	[sflag:s4] =	ssyncset.s32 $0xFFFFF086  }
0x25: {  	[simem:s6], [sflag:s4] =	dma.local [hbm:s3], $0xF7A  }
0x26: {  	[smem:$0x3F9A] =	sst s1;
	(tag) =	ssettag s2;
	_ =	strace s9  }
0x27: {  	s1 =	sld [smem:$0x3FAA]  }
0x28: {  	s2 =	sld [smem:$0x3FAB]  }
0x29: {  	s4 =	sld [smem:$0x3FAD]  }
0x2a: {  	p0 =	seq.s32 s5, $0x0;
	s5 =	sld [smem:$0x3FAE]  }
0x2b: {  	s6 =	sld [smem:$0x3FAF]  }
0x2c: {  	s7 =	sld [smem:$0x3FB0]  }
0x2d: {  	s3 =	simm.s32 $0x108;
	s8 =	sld [smem:$0x3FB1]  }
0x2e: {  	s3 =	simm.s32 @!p0 $0x1082;
	s9 =	sld [smem:$0x3FB2]  }
0x2f: {  	lr =	sadd.s32 s0, s3;
	s0 =	sld [smem:$0x3FA9]  }
0x30: {  	s3 =	sld [smem:$0x3FAC]  }
0x31: {  	[smem:$0x3FB5] =	sst s10  }
0x32: {  	s10 =	sld [smem:$0x3FB3];
	_ =	sdelay $0x3  }
0x33: {  	p0 =	seq.s32 s10, $0x1;
	s10 =	sld [smem:$0x3FB5];
	_ =	sdelay $0x3  }
0x34: {  	[smem:$0x3FB5] =	sst s10  }
0x35: {  	s10 =	sld [smem:$0x3FB4];
	_ =	sdelay $0x3  }
0x36: {  	p1 =	seq.s32 s10, $0x1;
	s10 =	sld [smem:$0x3FB5];
	_ =	sdelay $0x3  }
0x37: {  	[smem:$0x3FB5] =	sst s10  }
0x38: {  	s10 =	sld [smem:$0x3FB6]  }
0x39: {  	_ = 	snop;
	(pc) =	sbr.ind lr, $3  }
0x3a: {  	_ = 	snop  }
0x3b: {  	_ = 	snop  }
0x3c: {  	p2 =	seq.s32 s10, $0x1;
	s10 =	sld [smem:$0x3FB5]  }
0x3d: {  	_ =	shalt  }
0x3e: {  	_ =	shalt  }
0x3f: {  	_ =	shalt  }
0x40: {  	_ =	shalt  }
0x41: {  	_ =	shalt  }
0x42: {  	_ =	shalt  }
0x43: {  	_ =	shalt  }
0x44: {  	_ =	shalt  }
0x45: {  	_ =	shalt  }
0x46: {  	_ =	shalt  }
0x47: {  	_ =	shalt  }
0x48: {  	_ =	shalt  }
0x49: {  	_ =	shalt  }
0x4a: {  	_ =	shalt  }
0x4b: {  	_ =	shalt  }
0x4c: {  	_ =	shalt  }
0x4d: {  	_ =	shalt  }
0x4e: {  	_ =	shalt  }
0x4f: {  	_ =	shalt  }
0x50: {  	_ =	shalt  }
0x51: {  	_ =	shalt  }
0x52: {  	_ =	shalt  }
0x53: {  	_ =	shalt  }
0x54: {  	_ =	shalt  }
0x55: {  	_ =	shalt  }
0x56: {  	_ =	shalt  }
0x57: {  	_ =	shalt  }
0x58: {  	_ =	shalt  }
0x59: {  	_ =	shalt  }
0x5a: {  	_ =	shalt  }
0x5b: {  	_ =	shalt  }
0x5c: {  	_ =	shalt  }
0x5d: {  	_ =	shalt  }
0x5e: {  	_ =	shalt  }
0x5f: {  	_ =	shalt  }
0x60: {  	_ =	shalt  }
0x61: {  	_ =	shalt  }
0x62: {  	_ =	shalt  }
0x63: {  	_ =	shalt  }
0x64: {  	_ =	shalt  }
0x65: {  	_ =	shalt  }
0x66: {  	_ =	shalt  }
0x67: {  	_ =	shalt  }
0x68: {  	_ =	shalt  }
0x69: {  	_ =	shalt  }
0x6a: {  	_ =	shalt  }
0x6b: {  	_ =	shalt  }
0x6c: {  	_ =	shalt  }
0x6d: {  	_ =	shalt  }
0x6e: {  	_ =	shalt  }
0x6f: {  	_ =	shalt  }
0x70: {  	_ =	shalt  }
0x71: {  	_ =	shalt  }
0x72: {  	_ =	shalt  }
0x73: {  	_ =	shalt  }
0x74: {  	_ =	shalt  }
0x75: {  	_ =	shalt  }
0x76: {  	_ =	shalt  }
0x77: {  	_ =	shalt  }
0x78: {  	_ =	shalt  }
0x79: {  	_ =	shalt  }
0x7a: {  	_ =	shalt  }
0x7b: {  	_ =	shalt  }
0x7c: {  	_ =	shalt  }
0x7d: {  	_ =	shalt  }
0x7e: {  	_ =	shalt  }
0x7f: {  	_ =	shalt  }
0x80: {  	_ =	shalt  }
0x81: {  	_ =	shalt  }
0x82: {  	_ =	shalt  }
0x83: {  	_ =	shalt  }
0x84: {  	_ =	shalt  }
0x85: {  	_ =	shalt  }
0x86: {  	_ =	shalt  }
0x87: {  	_ =	shalt  }
.Lfunc_end0:
.L_simem_size_0:
called_computation_lowered:
.L_overlay_start_0:
0x88: {  	s2 =	sld [smem:$0x3FD9]  }
0x89: {  	s3 =	sld [smem:$0x3FFE];
	_ =	sdelay $0x1  }
0x8a: {  	s1 =	srdreg.scid  }
0x8b: {  	s0 =	sand.u32 $0x1, s1  }
0x8c: {  	s14 =	sshll.u32 s0, $0xA;
	s2 =	sadd.s32 s3, s2  }
0x8d: {  	s2 =	sadd.s32 s2, s14  }
0x8e: {  	[smem:$0x3FC1] =	sst s2  }
0x8f: {  	_ = 	snop  }
0x90: {  	s2 =	sld [smem:$0x3FD0];
	_ =	sdelay $0x2  }
0x91: {  	s15 =	simm.s32 $0xA;
	s4 =	simm.s32 $0x10  }
0x92: {  	[smem:s4], [sflag:s15] =	dma.local [hbm:s2], $0x1  }
0x93: {  	_ =	swait.eq [sflag:s15], $0x1  }
0x94: {  	[sflag:s15] =	ssyncset.done $0x0  }
0x95: {  	[sflag:s15] =	ssyncadd.s32 $0xFFFFFFFF  }
0x96: {  	s16 =	sld [smem:$0x10];
	(tm) =	ssettm $0x1  }
0x97: {  	s17 =	sld [smem:$0x3FFB];
	_ =	sdelay $0x3  }
0x98: {  	_ =	strace s17  }
0x99: {  	s3 =	sld [smem:$0x3FFC];
	_ =	sdelay $0x3  }
0x9a: {  	_ =	strace s3  }
0x9b: {  	s3 =	sld [smem:$0x3FFD];
	_ =	sdelay $0x3  }
0x9c: {  	_ =	strace s3  }
0x9d: {  	_ =	strace $0x8FFFFFFF  }
0x9e: {  	s18 =	sld [smem:$0x3FDB];
	_ =	sdelay $0x1  }
0x9f: {  	s19 =	simm.s32 $_scs_section_size  }
0xa0: {  	s5 =	simm.s32 $_size__tile_overlayer_lowered;
	s6 =	simm.s32 $_tile_overlayer_lowered  }
0xa1: {  	s22 =	simm.s32 $0x1BFF;
	s21 =	sshll.u32 s6, $0x1;
	s3 =	sadd.s32 s19, s18  }
0xa2: {  	s7 =	simm.s32 $0x0;
	s20 =	sshll.u32 s5, $0x1;
	s5 =	sadd.s32 s21, s3  }
0xa3: {  	[timem:s7], [sflag:s22] =	dma.local [hbm:s5], s20  }
0xa4: {  	_ =	swait.ge [sflag:s22], s20  }
0xa5: {  	s4 =	ssub.s32 $0x0, s20;
	[sflag:s22] =	ssyncset.done $0x0  }
0xa6: {  	[sflag:s22] =	ssyncadd.s32 s4;
	_ =	sdelay $0x1  }
0xa7: {  	s23 =	simm.s32 $0x1B8B  }
0xa8: {  	_ =	swait.ge [sflag:s23], $0x1  }
0xa9: {  	[sflag:s23] =	ssyncset.done $0x0  }
0xaa: {  	s25 =	simm.s32 $0x1B8E;
	s24 =	sld [smem:$0x3FFE];
	[sflag:s23] =	ssyncadd.s32 $0xFFFFFFFF  }
0xab: {  	s26 =	simm.s32 $execute0_lowered;
	[smem:$0x3FD2] =	sst s25  }
0xac: {  	s5 =	sshll.u32 s26, $0x1;
	_ =	strace $0x80000046;
	[dreg:$0x1] =	wrdreg $0xFFFFFFFF  }
0xad: {  	s28 =	simm.s32 $_size_execute0_lowered;
	s3 =	sadd.s32 s3, s5;
	[dreg:$0x0] =	wrdreg $0x0  }
0xae: {  	s5 =	sshll.u32 s28, $0x1;
	[dreg:$0x2] =	wrdreg s3  }
0xaf: {  	[dreg:$0x3] =	wrdreg s5  }
0xb0: {  	[dreg:$0x4] =	wrdreg $0xC0  }
0xb1: {  	_ =	task [dreg:s7], $0x5FFFF  }
0xb2: {  	[dreg:$0x1] =	wrdreg $0xFFFFFFFF  }
0xb3: {  	[dreg:$0x0] =	wrdreg $0x60  }
0xb4: {  	[dreg:$0x2] =	wrdreg s16  }
0xb5: {  	[dreg:$0x3] =	wrdreg s24  }
0xb6: {  	[dreg:$0x4] =	wrdreg $0x9  }
0xb7: {  	_ =	task.clear_ibuf [dreg:s7], $0x5FFFF;
	_ =	strace $0x90000046  }
0xb8: {  	s29 =	simm.s32 $0x9;
	_ =	strace $0x80000048  }
0xb9: {  	_ =	swait.ge [sflag:s29], $0x1  }
0xba: {  	[sflag:s29] =	ssyncadd.s32 $0xFFFFFFFF  }
0xbb: {  	_ =	strace $0x90000048  }
0xbc: {  	_ =	sfence  }
0xbd: {  	s30 =	sld [smem:$0x0];
	_ =	sdelay $0x2  }
0xbe: {  	s31 =	sshll.u32 s1, $0xD;
	s1 =	sshrl.u32 s1, $0x2  }
0xbf: {  	s3 =	sand.u32 $0x4000, s31;
	s1 =	sadd.s32 s1, s30  }
0xc0: {  	s0 =	sor.u32 s3, s0;
	s1 =	sshll.u32 s1, $0x11  }
0xc1: {  	s0 =	sor.u32 s1, s0  }
0xc2: {  	s0 =	sadd.s32 $0x8F2B, s0  }
0xc3: {  	[sflag:s0] =	ssyncadd.remote.s32 $0x1  }
0xc4: {  	_ =	sfence.sel $0xFFFF  }
0xc5: {  	[dreg:$0x0] =	wrdreg $0xFFFFFFFF;
	(pc) =	sbr.abs _section_cstart, $3  }
0xc6: {  	[dreg:$0x1] =	wrdreg $0xFFFFFFFF  }
0xc7: {  	_ =	task.clear_ibuf [dreg:s7], $0x2FFFF;
	_ =	strace $0x9FFFFFFF  }
0xc8: {  	(tm) =	ssettm $0x7FFFFFFF  }
0xc9: {  	_ =	shalt  }
tec
execute0_lowered:
.L_overlay_start_1:
0x0: {  	(tag) =	ssettag $0x1  }
0x1: {  	s2 =	rddreg [dreg:$0x0]  }
0x2: {  	s4 =	rddreg [dreg:$0x1]  }
0x3: {  	s0 =	rddreg [dreg:$0x2];
	s5 =	srdreg.scid  }
0x4: {  	s1 =	stileid.u32;
	s3 =	simm.s32 $0x0;
	s11 =	simm.s32 $0x10200  }
0x5: {  	s12 =	simm.s32 $0x80;
	s13 =	simm.s32 $0x400;
	s5 =	sand.u32 $0x1, s5  }
0x6: {  	s6 =	sshll.u32 s1, $0x1;
	[smem:$0x7FF] =	sst s3;
	s9 =	sshll.u32 s1, $0x8  }
0x7: {  	s6 =	sor.u32 s5, s6;
	_ =	strace $0x80000047;
	s9 =	sand.u32 $0xC00, s9  }
0x8: {  	s5 =	ssub.s32 $0x2, s5;
	s7 =	sshll.u32 s6, $0x6;
	s8 =	sshll.u32 s6, $0xD  }
0x9: {  	s6 =	sshll.u32 s6, $0x4;
	s9 =	sadd.s32 s9, s4;
	s31 =	sshrl.u32 s5, $0x1  }
0xa: {  	s7 =	sadd.s32 s7, s4;
	s8 =	sadd.s32 s8, s4;
	s6 =	sand.u32 $0x70, s6  }
0xb: {  	s10 =	ssub.s32 s5, s31;
	s4 =	sadd.s32 $0x41000, s7;
	s6 =	sadd.s32 s6, s9  }
0xc: {  	s5 =	sadd.s32 $0x41800, s8;
	s7 =	smax.u32 s10, $0x1;
	s8 =	simm.s32 $0x2  }
0xd: {  	v0 =	vimm.f32 $0.0e+00;
	v1 =	vimm.f32 $1.000000000e+00;
	s9 =	simm.s32 $0x200;
	s10 =	simm.s32 $0x1;
	s6 =	sadd.s32 $0x81800, s6  }
.LBB2_1:
0xe: {  	[tilespmem:s3], [sflag:$0x2] =	stream.linear.gather [hbm4b:s4+s3], $0x200, $0x38;
	[tilespmem:$0x10600] =	vst v63  }
0xf: {  	_ =	swait.ge [sflag:s8], $0x200  }
0x10: {  	[sflag:s8] =	ssyncset.done $0x0  }
0x11: {  	[sflag:s8] =	ssyncadd.s32 $0xFFFFFE00  }
0x12: {  	[tilespmem:s9], [sflag:$0x1] =	stream.indirect.gather [hbm4b:s2+s9], $0x80, s3, s9, $0xb8;
	[tilespmem:$0x10600] =	vst v63  }
0x13: {  	_ =	swait.ge [sflag:s10], $0x10000  }
0x14: {  	[sflag:s10] =	ssyncset.done $0x0  }
0x15: {  	[sflag:s10] =	ssyncadd.s32 $0xFFFF0000  }
0x16: {  	[hbm4b:s5+s3] =	stream.linear.scatter [tilespmem:s9], [sflag:$0x2], $0x10000, $0x38;
	[tilespmem:$0x10600] =	vst v63  }
0x17: {  	_ =	swait.ge [sflag:s8], $0x10000  }
0x18: {  	[sflag:s8] =	ssyncset.done $0x0  }
0x19: {  	[sflag:s8] =	ssyncadd.s32 $0xFFFF0000  }
0x1a: {  	[tilespmem:$0x10200] =	vst v0  }
0x1b: {  	[tilespmem:$0x10210] =	vst v0  }
0x1c: {  	[tilespmem:$0x10220] =	vst v0  }
0x1d: {  	[tilespmem:$0x10230] =	vst v0  }
0x1e: {  	[tilespmem:$0x10240] =	vst v0  }
0x1f: {  	[tilespmem:$0x10250] =	vst v0  }
0x20: {  	[tilespmem:$0x10260] =	vst v0  }
0x21: {  	[tilespmem:$0x10270] =	vst v0  }
0x22: {  	[tilespmem:$0x10280] =	vst v0  }
0x23: {  	[tilespmem:$0x10290] =	vst v0  }
0x24: {  	[tilespmem:$0x102A0] =	vst v0  }
0x25: {  	[tilespmem:$0x102B0] =	vst v0  }
0x26: {  	[tilespmem:$0x102C0] =	vst v0  }
0x27: {  	[tilespmem:$0x102D0] =	vst v0  }
0x28: {  	[tilespmem:$0x102E0] =	vst v0  }
0x29: {  	[tilespmem:$0x102F0] =	vst v0  }
0x2a: {  	[tilespmem:$0x10300] =	vst v0  }
0x2b: {  	[tilespmem:$0x10310] =	vst v0  }
0x2c: {  	[tilespmem:$0x10320] =	vst v0  }
0x2d: {  	[tilespmem:$0x10330] =	vst v0  }
0x2e: {  	[tilespmem:$0x10340] =	vst v0  }
0x2f: {  	[tilespmem:$0x10350] =	vst v0  }
0x30: {  	[tilespmem:$0x10360] =	vst v0  }
0x31: {  	[tilespmem:$0x10370] =	vst v0  }
0x32: {  	[tilespmem:$0x10380] =	vst v0  }
0x33: {  	[tilespmem:$0x10390] =	vst v0  }
0x34: {  	[tilespmem:$0x103A0] =	vst v0  }
0x35: {  	[tilespmem:$0x103B0] =	vst v0  }
0x36: {  	[tilespmem:$0x103C0] =	vst v0  }
0x37: {  	[tilespmem:$0x103D0] =	vst v0  }
0x38: {  	[tilespmem:$0x103E0] =	vst v0  }
0x39: {  	[tilespmem:$0x103F0] =	vst v0  }
0x3a: {  	[tilespmem:$0x10400] =	vst v0  }
0x3b: {  	[tilespmem:$0x10410] =	vst v0  }
0x3c: {  	[tilespmem:$0x10420] =	vst v0  }
0x3d: {  	[tilespmem:$0x10430] =	vst v0  }
0x3e: {  	[tilespmem:$0x10440] =	vst v0  }
0x3f: {  	[tilespmem:$0x10450] =	vst v0  }
0x40: {  	[tilespmem:$0x10460] =	vst v0  }
0x41: {  	[tilespmem:$0x10470] =	vst v0  }
0x42: {  	[tilespmem:$0x10480] =	vst v0  }
0x43: {  	[tilespmem:$0x10490] =	vst v0  }
0x44: {  	[tilespmem:$0x104A0] =	vst v0  }
0x45: {  	[tilespmem:$0x104B0] =	vst v0  }
0x46: {  	[tilespmem:$0x104C0] =	vst v0  }
0x47: {  	[tilespmem:$0x104D0] =	vst v0  }
0x48: {  	[tilespmem:$0x104E0] =	vst v0  }
0x49: {  	[tilespmem:$0x104F0] =	vst v0  }
0x4a: {  	[tilespmem:$0x10500] =	vst v0  }
0x4b: {  	[tilespmem:$0x10510] =	vst v0  }
0x4c: {  	[tilespmem:$0x10520] =	vst v0  }
0x4d: {  	[tilespmem:$0x10530] =	vst v0  }
0x4e: {  	[tilespmem:$0x10540] =	vst v0  }
0x4f: {  	[tilespmem:$0x10550] =	vst v0  }
0x50: {  	[tilespmem:$0x10560] =	vst v0  }
0x51: {  	[tilespmem:$0x10570] =	vst v0  }
0x52: {  	[tilespmem:$0x10580] =	vst v0;
	v2 =	vld [tilespmem:$0x0]  }
0x53: {  	[tilespmem:$0x10590] =	vst v0  }
0x54: {  	[tilespmem:$0x105A0] =	vst v0  }
0x55: {  	[tilespmem:$0x105B0] =	vst v0  }
0x56: {  	[tilespmem:$0x105C0] =	vst v0  }
0x57: {  	[tilespmem:$0x105D0] =	vst v0  }
0x58: {  	[tilespmem:$0x105E0] =	vst v0  }
0x59: {  	[tilespmem:$0x105F0] =	vst v0  }
0x5a: {  	[tilespmem:v2+s11+$0x0] =	vst.idx.add.f32.msk $0xffff, v1  }
0x5b: {  	v2 =	vld [tilespmem:$0x10];
	_ =	sdelay $0x7  }
0x5c: {  	[tilespmem:v2+s11+$0x0] =	vst.idx.add.f32.msk $0xffff, v1  }
0x5d: {  	v2 =	vld [tilespmem:$0x20];
	_ =	sdelay $0x7  }
0x5e: {  	[tilespmem:v2+s11+$0x0] =	vst.idx.add.f32.msk $0xffff, v1  }
0x5f: {  	v2 =	vld [tilespmem:$0x30];
	_ =	sdelay $0x7  }
0x60: {  	[tilespmem:v2+s11+$0x0] =	vst.idx.add.f32.msk $0xffff, v1  }
0x61: {  	v2 =	vld [tilespmem:$0x40];
	_ =	sdelay $0x7  }
0x62: {  	[tilespmem:v2+s11+$0x0] =	vst.idx.add.f32.msk $0xffff, v1  }
0x63: {  	v2 =	vld [tilespmem:$0x50];
	_ =	sdelay $0x7  }
0x64: {  	[tilespmem:v2+s11+$0x0] =	vst.idx.add.f32.msk $0xffff, v1  }
0x65: {  	v2 =	vld [tilespmem:$0x60];
	_ =	sdelay $0x7  }
0x66: {  	[tilespmem:v2+s11+$0x0] =	vst.idx.add.f32.msk $0xffff, v1  }
0x67: {  	v2 =	vld [tilespmem:$0x70];
	_ =	sdelay $0x7  }
0x68: {  	[tilespmem:v2+s11+$0x0] =	vst.idx.add.f32.msk $0xffff, v1  }
0x69: {  	v2 =	vld [tilespmem:$0x80];
	_ =	sdelay $0x7  }
0x6a: {  	[tilespmem:v2+s11+$0x0] =	vst.idx.add.f32.msk $0xffff, v1  }
0x6b: {  	v2 =	vld [tilespmem:$0x90];
	_ =	sdelay $0x7  }
0x6c: {  	[tilespmem:v2+s11+$0x0] =	vst.idx.add.f32.msk $0xffff, v1  }
0x6d: {  	v2 =	vld [tilespmem:$0xA0];
	_ =	sdelay $0x7  }
0x6e: {  	[tilespmem:v2+s11+$0x0] =	vst.idx.add.f32.msk $0xffff, v1  }
0x6f: {  	v2 =	vld [tilespmem:$0xB0];
	_ =	sdelay $0x7  }
0x70: {  	[tilespmem:v2+s11+$0x0] =	vst.idx.add.f32.msk $0xffff, v1  }
0x71: {  	v2 =	vld [tilespmem:$0xC0];
	_ =	sdelay $0x7  }
0x72: {  	[tilespmem:v2+s11+$0x0] =	vst.idx.add.f32.msk $0xffff, v1  }
0x73: {  	v2 =	vld [tilespmem:$0xD0];
	_ =	sdelay $0x7  }
0x74: {  	[tilespmem:v2+s11+$0x0] =	vst.idx.add.f32.msk $0xffff, v1  }
0x75: {  	v2 =	vld [tilespmem:$0xE0];
	_ =	sdelay $0x7  }
0x76: {  	[tilespmem:v2+s11+$0x0] =	vst.idx.add.f32.msk $0xffff, v1  }
0x77: {  	v2 =	vld [tilespmem:$0xF0];
	_ =	sdelay $0x7  }
0x78: {  	[tilespmem:v2+s11+$0x0] =	vst.idx.add.f32.msk $0xffff, v1  }
0x79: {  	v2 =	vld [tilespmem:$0x100];
	_ =	sdelay $0x7  }
0x7a: {  	[tilespmem:v2+s11+$0x0] =	vst.idx.add.f32.msk $0xffff, v1  }
0x7b: {  	v2 =	vld [tilespmem:$0x110];
	_ =	sdelay $0x7  }
0x7c: {  	[tilespmem:v2+s11+$0x0] =	vst.idx.add.f32.msk $0xffff, v1  }
0x7d: {  	v2 =	vld [tilespmem:$0x120];
	_ =	sdelay $0x7  }
0x7e: {  	[tilespmem:v2+s11+$0x0] =	vst.idx.add.f32.msk $0xffff, v1  }
0x7f: {  	v2 =	vld [tilespmem:$0x130];
	_ =	sdelay $0x7  }
0x80: {  	[tilespmem:v2+s11+$0x0] =	vst.idx.add.f32.msk $0xffff, v1  }
0x81: {  	v2 =	vld [tilespmem:$0x140];
	_ =	sdelay $0x7  }
0x82: {  	[tilespmem:v2+s11+$0x0] =	vst.idx.add.f32.msk $0xffff, v1  }
0x83: {  	v2 =	vld [tilespmem:$0x150];
	_ =	sdelay $0x7  }
0x84: {  	[tilespmem:v2+s11+$0x0] =	vst.idx.add.f32.msk $0xffff, v1  }
0x85: {  	v2 =	vld [tilespmem:$0x160];
	_ =	sdelay $0x7  }
0x86: {  	[tilespmem:v2+s11+$0x0] =	vst.idx.add.f32.msk $0xffff, v1  }
0x87: {  	v2 =	vld [tilespmem:$0x170];
	_ =	sdelay $0x7  }
0x88: {  	[tilespmem:v2+s11+$0x0] =	vst.idx.add.f32.msk $0xffff, v1  }
0x89: {  	v2 =	vld [tilespmem:$0x180];
	_ =	sdelay $0x7  }
0x8a: {  	[tilespmem:v2+s11+$0x0] =	vst.idx.add.f32.msk $0xffff, v1  }
0x8b: {  	v2 =	vld [tilespmem:$0x190];
	_ =	sdelay $0x7  }
0x8c: {  	[tilespmem:v2+s11+$0x0] =	vst.idx.add.f32.msk $0xffff, v1  }
0x8d: {  	v2 =	vld [tilespmem:$0x1A0];
	_ =	sdelay $0x7  }
0x8e: {  	[tilespmem:v2+s11+$0x0] =	vst.idx.add.f32.msk $0xffff, v1  }
0x8f: {  	v2 =	vld [tilespmem:$0x1B0];
	_ =	sdelay $0x7  }
0x90: {  	[tilespmem:v2+s11+$0x0] =	vst.idx.add.f32.msk $0xffff, v1  }
0x91: {  	v2 =	vld [tilespmem:$0x1C0];
	_ =	sdelay $0x7  }
0x92: {  	[tilespmem:v2+s11+$0x0] =	vst.idx.add.f32.msk $0xffff, v1  }
0x93: {  	v2 =	vld [tilespmem:$0x1D0];
	_ =	sdelay $0x7  }
0x94: {  	[tilespmem:v2+s11+$0x0] =	vst.idx.add.f32.msk $0xffff, v1  }
0x95: {  	v2 =	vld [tilespmem:$0x1E0];
	_ =	sdelay $0x7  }
0x96: {  	[tilespmem:v2+s11+$0x0] =	vst.idx.add.f32.msk $0xffff, v1  }
0x97: {  	v2 =	vld [tilespmem:$0x1F0];
	_ =	sdelay $0x6  }
0x98: {  	p0 =	sne.s32 s7, $0x1  }
.Ltmp0:
0x99: {  	[tilespmem:v2+s11+$0x0] =	vst.idx.add.f32.msk $0xffff, v1;
	(pc) =	sbr.rel @p0 .LBB2_1-.Ltmp0, $4  }
0x9a: {  	[hbm4b:s6+s12] =	stream.strided.scatter [tilespmem:s11], [sflag:$0x2], $0x400, s13, s12, $0x38;
	[tilespmem:$0x10600] =	vst v63  }
0x9b: {  	_ =	swait.ge [sflag:s8], $0x400  }
0x9c: {  	[sflag:s8] =	ssyncset.done $0x0  }
0x9d: {  	s7 =	sadd.s32 $0xFFFFFFFF, s7;
	[sflag:s8] =	ssyncadd.s32 $0xFFFFFC00  }
0x9e: {  	_ =	sfence.sel $0x180000  }
0x9f: {  	[bflag:$0x0] =	sbarrier.arrive $0xFFFF  }
0xa0: {  	p0 =	sne.s32 s1, $0x0;
	_ =	strace $0x90000047  }
0xa1: {  	s0 =	sadd.s32 @!p0 $0x100000, s0;
	[bflag:$0x2] =	sbarrier.arrive $0xFFFF  }
0xa2: {  	[sflag:s0] =	ssyncadd.tile.s32 @!p0 $0x1;
	_ =	shalt  }
.Lfunc_end2:
_tile_overlayer_lowered:
.L_overlay_start_2:
0xa3: {  	(tag) =	ssettag $0x2  }
0xa4: {  	s0 =	rddreg [dreg:$0x0];
	s2 =	stileid.u32  }
0xa5: {  	s1 =	rddreg [dreg:$0x1];
	p0 =	sne.s32 s2, $0x0  }
0xa6: {  	s3 =	rddreg [dreg:$0x2];
	[bflag:$0x3] =	sbarrier.arrive $0xFFFF;
	s2 =	simm.s32 @!p0 $0x1C02  }
0xa7: {  	[timem:s3], [sflag:s2] =	dma.local @!p0 [hbm:s0], s1  }
0xa8: {  	s0 =	simm.s32 @!p0 $0x2  }
0xa9: {  	_ =	swait.ge @!p0 [sflag:s0], s1  }
0xaa: {  	s1 =	ssub.s32 @!p0 $0x0, s1;
	[sflag:s0] =	ssyncset.done @!p0 $0x0  }
0xab: {  	[sflag:s0] =	ssyncadd.s32 @!p0 s1  }
0xac: {  	[bflag:$0x3] =	sbarrier.arrive $0xFFFF  }
0xad: {  	_ =	shalt  }

</sc_bundles>
